<compile_context>
chip_gen: v7x
topology: tpu7x:2x2x1
jax: 0.10.2.dev20260603
libtpu: 0.0.44.dev20260713+nightly
codegen_flags: <defaults>
</compile_context>

<pallas_src>
import jax
import jax.numpy as jnp
from jax.experimental import pallas as pl
from jax.experimental.pallas import tpu as pltpu

_H = 128
_W = 128
_K = 8
_RADIUS = 0.02
_BIG = 1e10
_CHUNK = 128
_IDBIG = 1e9


def _raster_kernel(ys_ref, cs_ref, nt_ref, x_ref, y_ref, z_ref, id_ref,
                   oi_ref, oz_ref, od_ref):
    r = pl.program_id(0)
    py = ys_ref[r]
    start = cs_ref[r]
    ntrips = nt_ref[r]

    xs = (jax.lax.broadcasted_iota(jnp.int32, (_W, _CHUNK), 0)
          .astype(jnp.float32) + 0.5) / _W * 2.0 - 1.0

    z8 = jnp.full((_W, _K), _BIG, jnp.float32)
    i8 = jnp.full((_W, _K), _IDBIG, jnp.float32)
    d8 = jnp.full((_W, _K), -1.0, jnp.float32)

    def body(t, carry):
        z8, i8, d8 = carry
        c = (start + t) * 2
        zs, is_, ds = [z8], [i8], [d8]
        for s in range(2):
            xv = x_ref[pl.ds(c + s, 1), :]
            yv = y_ref[pl.ds(c + s, 1), :]
            zv = z_ref[pl.ds(c + s, 1), :]
            iv = id_ref[pl.ds(c + s, 1), :]
            dx = xs - xv
            dy = py - yv
            dist2 = dx * dx + dy * dy
            valid = (dist2 < _RADIUS * _RADIUS) & (zv > 0.0)
            zs.append(jnp.where(valid, zv, _BIG))
            is_.append(jnp.where(valid, iv, _IDBIG))
            ds.append(dist2)

        zall = jnp.concatenate(zs, axis=1)
        iall = jnp.concatenate(is_, axis=1)
        dall = jnp.concatenate(ds, axis=1)
        nz, ni, nd = [], [], []
        for _ in range(_K):
            zmin = jnp.min(zall, axis=1, keepdims=True)
            eq = zall == zmin
            imin = jnp.min(jnp.where(eq, iall, _IDBIG + 1.0),
                           axis=1, keepdims=True)
            sel = eq & (iall == imin)
            dmin = jnp.max(jnp.where(sel, dall, -1.0),
                           axis=1, keepdims=True)
            nz.append(zmin)
            ni.append(imin)
            nd.append(dmin)
            zall = jnp.where(sel, _BIG, zall)
        return (jnp.concatenate(nz, axis=1),
                jnp.concatenate(ni, axis=1),
                jnp.concatenate(nd, axis=1))

    z8, i8, d8 = jax.lax.fori_loop(0, ntrips, body, (z8, i8, d8))

    vsel = z8 < _BIG * 0.5
    oi_ref[0] = jnp.where(vsel, i8, -1.0).astype(jnp.int32)
    oz_ref[0] = jnp.where(vsel, z8, -1.0)
    od_ref[0] = jnp.where(vsel, d8, -1.0)


def kernel(hom_point_cloud, full_proj_transform, world_view_transform):
    proj = jnp.einsum('bnj,bjk->bnk', hom_point_cloud, full_proj_transform)
    proj = proj / proj[..., 3:]
    view = jnp.einsum('bnj,bjk->bnk', hom_point_cloud, world_view_transform)
    view = view / view[..., 3:]
    x = proj[0, :, 0]
    y = proj[0, :, 1]
    z = view[0, :, 2]
    n = x.shape[0]

    order = jnp.argsort(y)
    xs_s = x[order]
    ys_s = y[order]
    zs_s = z[order]
    ids = order.astype(jnp.float32)

    nrows = -(-n // _CHUNK)
    nrows = -(-nrows // 8) * 8
    npad = nrows * _CHUNK
    pad = npad - n
    fpad = jnp.full((pad,), 3e38, jnp.float32)
    xs_s = jnp.concatenate([xs_s, fpad])
    ys_s = jnp.concatenate([ys_s, fpad])
    zs_s = jnp.concatenate([zs_s, jnp.zeros((pad,), jnp.float32)])
    ids = jnp.concatenate([ids, jnp.full((pad,), _IDBIG, jnp.float32)])

    ys_pix = (jnp.arange(_H, dtype=jnp.float32) + 0.5) / _H * 2.0 - 1.0
    lo = jnp.searchsorted(ys_s, ys_pix - (_RADIUS + 1e-6))
    hi = jnp.searchsorted(ys_s, ys_pix + (_RADIUS + 1e-6), side='right')
    c0 = (lo // (2 * _CHUNK)).astype(jnp.int32)
    c1 = ((hi + 2 * _CHUNK - 1) // (2 * _CHUNK)).astype(jnp.int32)
    ntr = jnp.maximum(c1 - c0, 0).astype(jnp.int32)

    xm = xs_s.reshape(nrows, _CHUNK)
    ym = ys_s.reshape(nrows, _CHUNK)
    zm = zs_s.reshape(nrows, _CHUNK)
    im = ids.reshape(nrows, _CHUNK)

    grid_spec = pltpu.PrefetchScalarGridSpec(
        num_scalar_prefetch=3,
        grid=(_H,),
        in_specs=[
            pl.BlockSpec((nrows, _CHUNK), lambda r, *_: (0, 0)),
            pl.BlockSpec((nrows, _CHUNK), lambda r, *_: (0, 0)),
            pl.BlockSpec((nrows, _CHUNK), lambda r, *_: (0, 0)),
            pl.BlockSpec((nrows, _CHUNK), lambda r, *_: (0, 0)),
        ],
        out_specs=[
            pl.BlockSpec((1, _W, _K), lambda r, *_: (r, 0, 0)),
            pl.BlockSpec((1, _W, _K), lambda r, *_: (r, 0, 0)),
            pl.BlockSpec((1, _W, _K), lambda r, *_: (r, 0, 0)),
        ],
    )
    out_shape = [
        jax.ShapeDtypeStruct((_H, _W, _K), jnp.int32),
        jax.ShapeDtypeStruct((_H, _W, _K), jnp.float32),
        jax.ShapeDtypeStruct((_H, _W, _K), jnp.float32),
    ]
    idx, zbuf, dists = pl.pallas_call(
        _raster_kernel,
        grid_spec=grid_spec,
        out_shape=out_shape,
        compiler_params=pltpu.CompilerParams(
            dimension_semantics=("parallel",)),
    )(ys_pix, c0, ntr, xm, ym, zm, im)

    return idx[None], zbuf[None], dists[None]

# --- scband reference (transcript-rebuilt; emitter-appended) ---
"""Pipeline reference for scband-points-rasterizer-67697274520442 (READ-ONLY COPY).

The authoritative reference and input builder live on the scoring server;
editing this copy changes nothing except your own understanding.
"""

import jax, jax.numpy as jnp
import numpy as np

H = 128
W = 128
K = 8
RADIUS = 0.02
BIG = 1e10


def setup_inputs(seed: int = 0) -> dict:
    key = jax.random.key(seed)
    B, N = 1, 20000
    pts = jax.random.uniform(key, (B, N, 3), minval=-1.0, maxval=1.0, dtype=jnp.float32)
    hom = jnp.concatenate([pts, jnp.ones((B, N, 1), jnp.float32)], axis=-1)
    # row-vector convention matrices (p' = p @ M), matching hom_cloud.bmm(matrix)
    f, zn, zf = 2.0, 1.0, 10.0
    a = zf / (zf - zn)
    b = -zf * zn / (zf - zn)
    Kp = np.array([[f, 0, 0, 0], [0, f, 0, 0], [0, 0, a, 1], [0, 0, b, 0]], dtype=np.float32)
    WV = np.eye(4, dtype=np.float32)
    WV[3, 2] = 4.0  # translate points to z_view in [3, 5]
    full = WV @ Kp
    return {
        "hom_point_cloud": hom,
        "full_proj_transform": jnp.asarray(full)[None],
        "world_view_transform": jnp.asarray(WV)[None],
    }


def _transform(hom, full, wv):
    # PointsRasterizer.transform (hom_cloud branch)
    proj = jnp.einsum('bnj,bjk->bnk', hom, full)
    proj = proj / proj[..., 3:]
    view = jnp.einsum('bnj,bjk->bnk', hom, wv)
    view = view / view[..., 3:]
    proj = proj.at[..., 2].set(view[..., 2])
    return proj


def _rasterize_one(pts):
    # pts: [N, 4] screen-space (x, y in NDC, z = view depth)
    x, y, z = pts[:, 0], pts[:, 1], pts[:, 2]
    xs = (jnp.arange(W, dtype=jnp.float32) + 0.5) / W * 2.0 - 1.0
    ys = (jnp.arange(H, dtype=jnp.float32) + 0.5) / H * 2.0 - 1.0

    def row_fn(py):
        dx = xs[:, None] - x[None, :]          # [W, N]
        dy = (py - y)[None, :]                  # [1, N] -> broadcast
        dist2 = dx * dx + dy * dy               # [W, N]
        valid = (dist2 < RADIUS ** 2) & (z > 0.0)[None, :]
        z_sort = jnp.where(valid, z[None, :], BIG)
        neg_top, idx = jax.lax.top_k(-z_sort, K)  # K nearest in depth within radius
        zsel = -neg_top
        vsel = zsel < BIG * 0.5
        dsel = jnp.take_along_axis(dist2, idx, axis=1)
        idx_out = jnp.where(vsel, idx, -1).astype(jnp.int32)
        zbuf = jnp.where(vsel, zsel, jnp.float32(-1.0))
        dists = jnp.where(vsel, dsel, jnp.float32(-1.0))
        return idx_out, zbuf, dists

    idx, zbuf, dists = jax.lax.map(row_fn, ys)  # [H, W, K] each
    return idx, zbuf, dists


def reference(hom_point_cloud, full_proj_transform, world_view_transform):
    points_screen = _transform(hom_point_cloud, full_proj_transform, world_view_transform)
    idx, zbuf, dists = jax.vmap(_rasterize_one)(points_screen)
    # PointFragments(idx, zbuf, dists)
    return idx, zbuf, dists

if __name__ == "__main__":
    import jax
    _d = setup_inputs()
    print(jax.jit(kernel)(*tuple(_d.values())))

</pallas_src>

<mosaic_0001>
module attributes {stable_mosaic.version = 14 : i64} {
  func.func @_raster_kernel(%arg0: i32, %arg1: memref<128xf32, #tpu.memory_space<smem>>, %arg2: memref<128xi32, #tpu.memory_space<smem>>, %arg3: memref<128xi32, #tpu.memory_space<smem>>, %arg4: memref<160x128xf32, #tpu.memory_space<vmem>>, %arg5: memref<160x128xf32, #tpu.memory_space<vmem>>, %arg6: memref<160x128xf32, #tpu.memory_space<vmem>>, %arg7: memref<160x128xf32, #tpu.memory_space<vmem>>, %arg8: memref<1x128x8xi32, #tpu.memory_space<vmem>>, %arg9: memref<1x128x8xf32, #tpu.memory_space<vmem>>, %arg10: memref<1x128x8xf32, #tpu.memory_space<vmem>>) attributes {dimension_semantics = [#tpu.dimension_semantics<parallel>], iteration_bounds = array<i64: 128>, scalar_prefetch = 3 : i64, scratch_operands = 0 : i64, tpu.core_type = #tpu.core_type<tc>, window_params = [{pipeline_mode = #tpu.pipeline_mode<synchronous>, transform_indices = @transform_0, window_bounds = array<i64: 160, 128>}, {pipeline_mode = #tpu.pipeline_mode<synchronous>, transform_indices = @transform_1, window_bounds = array<i64: 160, 128>}, {pipeline_mode = #tpu.pipeline_mode<synchronous>, transform_indices = @transform_2, window_bounds = array<i64: 160, 128>}, {pipeline_mode = #tpu.pipeline_mode<synchronous>, transform_indices = @transform_3, window_bounds = array<i64: 160, 128>}, {transform_indices = @transform_4, window_bounds = array<i64: 1, 128, 8>}, {transform_indices = @transform_5, window_bounds = array<i64: 1, 128, 8>}, {transform_indices = @transform_6, window_bounds = array<i64: 1, 128, 8>}]} {
    %get3A = arith.index_cast %arg0 : i32 to index
    %get3A_0 = memref.load %arg1[%get3A] : memref<128xf32, #tpu.memory_space<smem>>
    %get3A_1 = arith.index_cast %arg0 : i32 to index
    %get3A_2 = memref.load %arg2[%get3A_1] : memref<128xi32, #tpu.memory_space<smem>>
    %get3A_3 = arith.index_cast %arg0 : i32 to index
    %get3A_4 = memref.load %arg3[%get3A_3] : memref<128xi32, #tpu.memory_space<smem>>
    %iota3A = tpu.iota {dimensions = array<i32: 0>} : vector<128x128xi32>
    %convert_element_type3A = arith.sitofp %iota3A : vector<128x128xi32> to vector<128x128xf32>
    %add3A = arith.constant 5.000000e-01 : f32
    %add3A_5 = vector.broadcast %add3A : f32 to vector<128x128xf32>
    %add3A_6 = arith.addf %convert_element_type3A, %add3A_5 : vector<128x128xf32>
    %div3A = arith.constant 1.280000e+02 : f32
    %div3A_7 = vector.broadcast %div3A : f32 to vector<128x128xf32>
    %div3A_8 = arith.divf %add3A_6, %div3A_7 : vector<128x128xf32>
    %mul3A = arith.constant 2.000000e+00 : f32
    %mul3A_9 = vector.broadcast %mul3A : f32 to vector<128x128xf32>
    %mul3A_10 = arith.mulf %div3A_8, %mul3A_9 : vector<128x128xf32>
    %sub3A = arith.constant 1.000000e+00 : f32
    %sub3A_11 = vector.broadcast %sub3A : f32 to vector<128x128xf32>
    %sub3A_12 = arith.subf %mul3A_10, %sub3A_11 : vector<128x128xf32>
    %broadcast_in_dim3A = arith.constant 1.000000e+10 : f32
    %broadcast_in_dim3A_13 = vector.broadcast %broadcast_in_dim3A : f32 to vector<128x8xf32>
    %broadcast_in_dim3A_14 = arith.constant 1.000000e+09 : f32
    %broadcast_in_dim3A_15 = vector.broadcast %broadcast_in_dim3A_14 : f32 to vector<128x8xf32>
    %broadcast_in_dim3A_16 = arith.constant -1.000000e+00 : f32
    %broadcast_in_dim3A_17 = vector.broadcast %broadcast_in_dim3A_16 : f32 to vector<128x8xf32>
    %while3A = arith.constant 0 : i32
    %while3A_18 = arith.subi %get3A_4, %while3A : i32
    %while3A_19 = arith.addi %while3A, %while3A_18 : i32
    %while3A_20 = arith.constant 1 : i32
    %while3A_21 = arith.divsi %while3A_18, %while3A_20 : i32
    %while3A_22 = arith.muli %while3A_21, %while3A_20 : i32
    %while3A_23 = arith.addi %while3A, %while3A_22 : i32
    %while3A_24 = arith.constant 1 : i32
    %while3A_25:3 = scf.for %while3A_55 = %while3A to %while3A_23 step %while3A_24 iter_args(%while3A_56 = %broadcast_in_dim3A_13, %while3A_57 = %broadcast_in_dim3A_15, %while3A_58 = %broadcast_in_dim3A_17) -> (vector<128x8xf32>, vector<128x8xf32>, vector<128x8xf32>)  : i32 {
      %add3A_59 = arith.addi %get3A_2, %while3A_55 : i32
      %mul3A_60 = arith.constant 2 : i32
      %mul3A_61 = arith.muli %add3A_59, %mul3A_60 : i32
      %add3A_62 = arith.constant 0 : i32
      %add3A_63 = arith.addi %mul3A_61, %add3A_62 : i32
      %get3A_64 = arith.index_cast %add3A_63 : i32 to index
      %get3A_65 = arith.constant 0 : index
      %get3A_66 = vector.load %arg4[%get3A_64, %get3A_65] : memref<160x128xf32, #tpu.memory_space<vmem>>, vector<1x128xf32>
      %add3A_67 = arith.constant 0 : i32
      %add3A_68 = arith.addi %mul3A_61, %add3A_67 : i32
      %get3A_69 = arith.index_cast %add3A_68 : i32 to index
      %get3A_70 = arith.constant 0 : index
      %get3A_71 = vector.load %arg5[%get3A_69, %get3A_70] : memref<160x128xf32, #tpu.memory_space<vmem>>, vector<1x128xf32>
      %add3A_72 = arith.constant 0 : i32
      %add3A_73 = arith.addi %mul3A_61, %add3A_72 : i32
      %get3A_74 = arith.index_cast %add3A_73 : i32 to index
      %get3A_75 = arith.constant 0 : index
      %get3A_76 = vector.load %arg6[%get3A_74, %get3A_75] : memref<160x128xf32, #tpu.memory_space<vmem>>, vector<1x128xf32>
      %add3A_77 = arith.constant 0 : i32
      %add3A_78 = arith.addi %mul3A_61, %add3A_77 : i32
      %get3A_79 = arith.index_cast %add3A_78 : i32 to index
      %get3A_80 = arith.constant 0 : index
      %get3A_81 = vector.load %arg7[%get3A_79, %get3A_80] : memref<160x128xf32, #tpu.memory_space<vmem>>, vector<1x128xf32>
      %sub3A_82 = vector.broadcast %get3A_66 : vector<1x128xf32> to vector<128x128xf32>
      %sub3A_83 = arith.subf %sub3A_12, %sub3A_82 : vector<128x128xf32>
      %sub3A_84 = vector.broadcast %get3A_0 : f32 to vector<1x128xf32>
      %sub3A_85 = arith.subf %sub3A_84, %get3A_71 : vector<1x128xf32>
      %mul3A_86 = arith.mulf %sub3A_83, %sub3A_83 : vector<128x128xf32>
      %mul3A_87 = arith.mulf %sub3A_85, %sub3A_85 : vector<1x128xf32>
      %add3A_88 = vector.broadcast %mul3A_87 : vector<1x128xf32> to vector<128x128xf32>
      %add3A_89 = arith.addf %mul3A_86, %add3A_88 : vector<128x128xf32>
      %lt3A_90 = arith.constant 4.000000e-04 : f32
      %lt3A_91 = vector.broadcast %lt3A_90 : f32 to vector<128x128xf32>
      %lt3A_92 = arith.cmpf olt, %add3A_89, %lt3A_91 : vector<128x128xf32>
      %gt3A = arith.constant 0.000000e+00 : f32
      %gt3A_93 = vector.broadcast %gt3A : f32 to vector<1x128xf32>
      %gt3A_94 = arith.cmpf ogt, %get3A_76, %gt3A_93 : vector<1x128xf32>
      %and3A = vector.broadcast %gt3A_94 : vector<1x128xi1> to vector<128x128xi1>
      %and3A_95 = arith.andi %lt3A_92, %and3A : vector<128x128xi1>
      %jit3A_96 = arith.constant 1.000000e+10 : f32
      %broadcast_in_dim3A_97 = vector.shape_cast %get3A_76 : vector<1x128xf32> to vector<1x128xf32>
      %broadcast_in_dim3A_98 = vector.broadcast %broadcast_in_dim3A_97 : vector<1x128xf32> to vector<128x128xf32>
      %broadcast_in_dim3A_99 = vector.broadcast %jit3A_96 : f32 to vector<128x128xf32>
      %select_n3A_100 = arith.select %and3A_95, %broadcast_in_dim3A_98, %broadcast_in_dim3A_99 : vector<128x128xi1>, vector<128x128xf32>
      %jit3A_101 = arith.constant 1.000000e+09 : f32
      %broadcast_in_dim3A_102 = vector.shape_cast %get3A_81 : vector<1x128xf32> to vector<1x128xf32>
      %broadcast_in_dim3A_103 = vector.broadcast %broadcast_in_dim3A_102 : vector<1x128xf32> to vector<128x128xf32>
      %broadcast_in_dim3A_104 = vector.broadcast %jit3A_101 : f32 to vector<128x128xf32>
      %select_n3A_105 = arith.select %and3A_95, %broadcast_in_dim3A_103, %broadcast_in_dim3A_104 : vector<128x128xi1>, vector<128x128xf32>
      %add3A_106 = arith.constant 1 : i32
      %add3A_107 = arith.addi %mul3A_61, %add3A_106 : i32
      %get3A_108 = arith.index_cast %add3A_107 : i32 to index
      %get3A_109 = arith.constant 0 : index
      %get3A_110 = vector.load %arg4[%get3A_108, %get3A_109] : memref<160x128xf32, #tpu.memory_space<vmem>>, vector<1x128xf32>
      %add3A_111 = arith.constant 1 : i32
      %add3A_112 = arith.addi %mul3A_61, %add3A_111 : i32
      %get3A_113 = arith.index_cast %add3A_112 : i32 to index
      %get3A_114 = arith.constant 0 : index
      %get3A_115 = vector.load %arg5[%get3A_113, %get3A_114] : memref<160x128xf32, #tpu.memory_space<vmem>>, vector<1x128xf32>
      %add3A_116 = arith.constant 1 : i32
      %add3A_117 = arith.addi %mul3A_61, %add3A_116 : i32
      %get3A_118 = arith.index_cast %add3A_117 : i32 to index
      %get3A_119 = arith.constant 0 : index
      %get3A_120 = vector.load %arg6[%get3A_118, %get3A_119] : memref<160x128xf32, #tpu.memory_space<vmem>>, vector<1x128xf32>
      %add3A_121 = arith.constant 1 : i32
      %add3A_122 = arith.addi %mul3A_61, %add3A_121 : i32
      %get3A_123 = arith.index_cast %add3A_122 : i32 to index
      %get3A_124 = arith.constant 0 : index
      %get3A_125 = vector.load %arg7[%get3A_123, %get3A_124] : memref<160x128xf32, #tpu.memory_space<vmem>>, vector<1x128xf32>
      %sub3A_126 = vector.broadcast %get3A_110 : vector<1x128xf32> to vector<128x128xf32>
      %sub3A_127 = arith.subf %sub3A_12, %sub3A_126 : vector<128x128xf32>
      %sub3A_128 = vector.broadcast %get3A_0 : f32 to vector<1x128xf32>
      %sub3A_129 = arith.subf %sub3A_128, %get3A_115 : vector<1x128xf32>
      %mul3A_130 = arith.mulf %sub3A_127, %sub3A_127 : vector<128x128xf32>
      %mul3A_131 = arith.mulf %sub3A_129, %sub3A_129 : vector<1x128xf32>
      %add3A_132 = vector.broadcast %mul3A_131 : vector<1x128xf32> to vector<128x128xf32>
      %add3A_133 = arith.addf %mul3A_130, %add3A_132 : vector<128x128xf32>
      %lt3A_134 = arith.constant 4.000000e-04 : f32
      %lt3A_135 = vector.broadcast %lt3A_134 : f32 to vector<128x128xf32>
      %lt3A_136 = arith.cmpf olt, %add3A_133, %lt3A_135 : vector<128x128xf32>
      %gt3A_137 = arith.constant 0.000000e+00 : f32
      %gt3A_138 = vector.broadcast %gt3A_137 : f32 to vector<1x128xf32>
      %gt3A_139 = arith.cmpf ogt, %get3A_120, %gt3A_138 : vector<1x128xf32>
      %and3A_140 = vector.broadcast %gt3A_139 : vector<1x128xi1> to vector<128x128xi1>
      %and3A_141 = arith.andi %lt3A_136, %and3A_140 : vector<128x128xi1>
      %jit3A_142 = arith.constant 1.000000e+10 : f32
      %broadcast_in_dim3A_143 = vector.shape_cast %get3A_120 : vector<1x128xf32> to vector<1x128xf32>
      %broadcast_in_dim3A_144 = vector.broadcast %broadcast_in_dim3A_143 : vector<1x128xf32> to vector<128x128xf32>
      %broadcast_in_dim3A_145 = vector.broadcast %jit3A_142 : f32 to vector<128x128xf32>
      %select_n3A_146 = arith.select %and3A_141, %broadcast_in_dim3A_144, %broadcast_in_dim3A_145 : vector<128x128xi1>, vector<128x128xf32>
      %jit3A_147 = arith.constant 1.000000e+09 : f32
      %broadcast_in_dim3A_148 = vector.shape_cast %get3A_125 : vector<1x128xf32> to vector<1x128xf32>
      %broadcast_in_dim3A_149 = vector.broadcast %broadcast_in_dim3A_148 : vector<1x128xf32> to vector<128x128xf32>
      %broadcast_in_dim3A_150 = vector.broadcast %jit3A_147 : f32 to vector<128x128xf32>
      %select_n3A_151 = arith.select %and3A_141, %broadcast_in_dim3A_149, %broadcast_in_dim3A_150 : vector<128x128xi1>, vector<128x128xf32>
      %concatenate3A = tpu.concatenate %while3A_56, %select_n3A_100, %select_n3A_146 in 1 : vector<128x8xf32>, vector<128x128xf32>, vector<128x128xf32> -> vector<128x264xf32>
      %concatenate3A_152 = tpu.concatenate %while3A_57, %select_n3A_105, %select_n3A_151 in 1 : vector<128x8xf32>, vector<128x128xf32>, vector<128x128xf32> -> vector<128x264xf32>
      %concatenate3A_153 = tpu.concatenate %while3A_58, %add3A_89, %add3A_133 in 1 : vector<128x8xf32>, vector<128x128xf32>, vector<128x128xf32> -> vector<128x264xf32>
      %reduce_min3A = arith.constant dense<0x7F800000> : vector<128xf32>
      %reduce_min3A_154 = vector.multi_reduction <minimumf>, %concatenate3A, %reduce_min3A [1] : vector<128x264xf32> to vector<128xf32>
      %broadcast_in_dim3A_155 = vector.shape_cast %reduce_min3A_154 : vector<128xf32> to vector<128x1xf32>
      %eq3A = vector.broadcast %broadcast_in_dim3A_155 : vector<128x1xf32> to vector<128x264xf32>
      %eq3A_156 = arith.cmpf oeq, %concatenate3A, %eq3A : vector<128x264xf32>
      %jit3A_157 = arith.constant 1.000000e+09 : f32
      %broadcast_in_dim3A_158 = vector.broadcast %jit3A_157 : f32 to vector<128x264xf32>
      %select_n3A_159 = arith.select %eq3A_156, %concatenate3A_152, %broadcast_in_dim3A_158 : vector<128x264xi1>, vector<128x264xf32>
      %reduce_min3A_160 = arith.constant dense<0x7F800000> : vector<128xf32>
      %reduce_min3A_161 = vector.multi_reduction <minimumf>, %select_n3A_159, %reduce_min3A_160 [1] : vector<128x264xf32> to vector<128xf32>
      %broadcast_in_dim3A_162 = vector.shape_cast %reduce_min3A_161 : vector<128xf32> to vector<128x1xf32>
      %eq3A_163 = vector.broadcast %broadcast_in_dim3A_162 : vector<128x1xf32> to vector<128x264xf32>
      %eq3A_164 = arith.cmpf oeq, %concatenate3A_152, %eq3A_163 : vector<128x264xf32>
      %and3A_165 = arith.andi %eq3A_156, %eq3A_164 : vector<128x264xi1>
      %jit3A_166 = arith.constant -1.000000e+00 : f32
      %broadcast_in_dim3A_167 = vector.broadcast %jit3A_166 : f32 to vector<128x264xf32>
      %select_n3A_168 = arith.select %and3A_165, %concatenate3A_153, %broadcast_in_dim3A_167 : vector<128x264xi1>, vector<128x264xf32>
      %reduce_max3A = arith.constant dense<0xFF800000> : vector<128xf32>
      %reduce_max3A_169 = vector.multi_reduction <maximumf>, %select_n3A_168, %reduce_max3A [1] : vector<128x264xf32> to vector<128xf32>
      %broadcast_in_dim3A_170 = vector.shape_cast %reduce_max3A_169 : vector<128xf32> to vector<128x1xf32>
      %jit3A_171 = arith.constant 1.000000e+10 : f32
      %broadcast_in_dim3A_172 = vector.broadcast %jit3A_171 : f32 to vector<128x264xf32>
      %select_n3A_173 = arith.select %and3A_165, %broadcast_in_dim3A_172, %concatenate3A : vector<128x264xi1>, vector<128x264xf32>
      %reduce_min3A_174 = arith.constant dense<0x7F800000> : vector<128xf32>
      %reduce_min3A_175 = vector.multi_reduction <minimumf>, %select_n3A_173, %reduce_min3A_174 [1] : vector<128x264xf32> to vector<128xf32>
      %broadcast_in_dim3A_176 = vector.shape_cast %reduce_min3A_175 : vector<128xf32> to vector<128x1xf32>
      %eq3A_177 = vector.broadcast %broadcast_in_dim3A_176 : vector<128x1xf32> to vector<128x264xf32>
      %eq3A_178 = arith.cmpf oeq, %select_n3A_173, %eq3A_177 : vector<128x264xf32>
      %jit3A_179 = arith.constant 1.000000e+09 : f32
      %broadcast_in_dim3A_180 = vector.broadcast %jit3A_179 : f32 to vector<128x264xf32>
      %select_n3A_181 = arith.select %eq3A_178, %concatenate3A_152, %broadcast_in_dim3A_180 : vector<128x264xi1>, vector<128x264xf32>
      %reduce_min3A_182 = arith.constant dense<0x7F800000> : vector<128xf32>
      %reduce_min3A_183 = vector.multi_reduction <minimumf>, %select_n3A_181, %reduce_min3A_182 [1] : vector<128x264xf32> to vector<128xf32>
      %broadcast_in_dim3A_184 = vector.shape_cast %reduce_min3A_183 : vector<128xf32> to vector<128x1xf32>
      %eq3A_185 = vector.broadcast %broadcast_in_dim3A_184 : vector<128x1xf32> to vector<128x264xf32>
      %eq3A_186 = arith.cmpf oeq, %concatenate3A_152, %eq3A_185 : vector<128x264xf32>
      %and3A_187 = arith.andi %eq3A_178, %eq3A_186 : vector<128x264xi1>
      %jit3A_188 = arith.constant -1.000000e+00 : f32
      %broadcast_in_dim3A_189 = vector.broadcast %jit3A_188 : f32 to vector<128x264xf32>
      %select_n3A_190 = arith.select %and3A_187, %concatenate3A_153, %broadcast_in_dim3A_189 : vector<128x264xi1>, vector<128x264xf32>
      %reduce_max3A_191 = arith.constant dense<0xFF800000> : vector<128xf32>
      %reduce_max3A_192 = vector.multi_reduction <maximumf>, %select_n3A_190, %reduce_max3A_191 [1] : vector<128x264xf32> to vector<128xf32>
      %broadcast_in_dim3A_193 = vector.shape_cast %reduce_max3A_192 : vector<128xf32> to vector<128x1xf32>
      %jit3A_194 = arith.constant 1.000000e+10 : f32
      %broadcast_in_dim3A_195 = vector.broadcast %jit3A_194 : f32 to vector<128x264xf32>
      %select_n3A_196 = arith.select %and3A_187, %broadcast_in_dim3A_195, %select_n3A_173 : vector<128x264xi1>, vector<128x264xf32>
      %reduce_min3A_197 = arith.constant dense<0x7F800000> : vector<128xf32>
      %reduce_min3A_198 = vector.multi_reduction <minimumf>, %select_n3A_196, %reduce_min3A_197 [1] : vector<128x264xf32> to vector<128xf32>
      %broadcast_in_dim3A_199 = vector.shape_cast %reduce_min3A_198 : vector<128xf32> to vector<128x1xf32>
      %eq3A_200 = vector.broadcast %broadcast_in_dim3A_199 : vector<128x1xf32> to vector<128x264xf32>
      %eq3A_201 = arith.cmpf oeq, %select_n3A_196, %eq3A_200 : vector<128x264xf32>
      %jit3A_202 = arith.constant 1.000000e+09 : f32
      %broadcast_in_dim3A_203 = vector.broadcast %jit3A_202 : f32 to vector<128x264xf32>
      %select_n3A_204 = arith.select %eq3A_201, %concatenate3A_152, %broadcast_in_dim3A_203 : vector<128x264xi1>, vector<128x264xf32>
      %reduce_min3A_205 = arith.constant dense<0x7F800000> : vector<128xf32>
      %reduce_min3A_206 = vector.multi_reduction <minimumf>, %select_n3A_204, %reduce_min3A_205 [1] : vector<128x264xf32> to vector<128xf32>
      %broadcast_in_dim3A_207 = vector.shape_cast %reduce_min3A_206 : vector<128xf32> to vector<128x1xf32>
      %eq3A_208 = vector.broadcast %broadcast_in_dim3A_207 : vector<128x1xf32> to vector<128x264xf32>
      %eq3A_209 = arith.cmpf oeq, %concatenate3A_152, %eq3A_208 : vector<128x264xf32>
      %and3A_210 = arith.andi %eq3A_201, %eq3A_209 : vector<128x264xi1>
      %jit3A_211 = arith.constant -1.000000e+00 : f32
      %broadcast_in_dim3A_212 = vector.broadcast %jit3A_211 : f32 to vector<128x264xf32>
      %select_n3A_213 = arith.select %and3A_210, %concatenate3A_153, %broadcast_in_dim3A_212 : vector<128x264xi1>, vector<128x264xf32>
      %reduce_max3A_214 = arith.constant dense<0xFF800000> : vector<128xf32>
      %reduce_max3A_215 = vector.multi_reduction <maximumf>, %select_n3A_213, %reduce_max3A_214 [1] : vector<128x264xf32> to vector<128xf32>
      %broadcast_in_dim3A_216 = vector.shape_cast %reduce_max3A_215 : vector<128xf32> to vector<128x1xf32>
      %jit3A_217 = arith.constant 1.000000e+10 : f32
      %broadcast_in_dim3A_218 = vector.broadcast %jit3A_217 : f32 to vector<128x264xf32>
      %select_n3A_219 = arith.select %and3A_210, %broadcast_in_dim3A_218, %select_n3A_196 : vector<128x264xi1>, vector<128x264xf32>
      %reduce_min3A_220 = arith.constant dense<0x7F800000> : vector<128xf32>
      %reduce_min3A_221 = vector.multi_reduction <minimumf>, %select_n3A_219, %reduce_min3A_220 [1] : vector<128x264xf32> to vector<128xf32>
      %broadcast_in_dim3A_222 = vector.shape_cast %reduce_min3A_221 : vector<128xf32> to vector<128x1xf32>
      %eq3A_223 = vector.broadcast %broadcast_in_dim3A_222 : vector<128x1xf32> to vector<128x264xf32>
      %eq3A_224 = arith.cmpf oeq, %select_n3A_219, %eq3A_223 : vector<128x264xf32>
      %jit3A_225 = arith.constant 1.000000e+09 : f32
      %broadcast_in_dim3A_226 = vector.broadcast %jit3A_225 : f32 to vector<128x264xf32>
      %select_n3A_227 = arith.select %eq3A_224, %concatenate3A_152, %broadcast_in_dim3A_226 : vector<128x264xi1>, vector<128x264xf32>
      %reduce_min3A_228 = arith.constant dense<0x7F800000> : vector<128xf32>
      %reduce_min3A_229 = vector.multi_reduction <minimumf>, %select_n3A_227, %reduce_min3A_228 [1] : vector<128x264xf32> to vector<128xf32>
      %broadcast_in_dim3A_230 = vector.shape_cast %reduce_min3A_229 : vector<128xf32> to vector<128x1xf32>
      %eq3A_231 = vector.broadcast %broadcast_in_dim3A_230 : vector<128x1xf32> to vector<128x264xf32>
      %eq3A_232 = arith.cmpf oeq, %concatenate3A_152, %eq3A_231 : vector<128x264xf32>
      %and3A_233 = arith.andi %eq3A_224, %eq3A_232 : vector<128x264xi1>
      %jit3A_234 = arith.constant -1.000000e+00 : f32
      %broadcast_in_dim3A_235 = vector.broadcast %jit3A_234 : f32 to vector<128x264xf32>
      %select_n3A_236 = arith.select %and3A_233, %concatenate3A_153, %broadcast_in_dim3A_235 : vector<128x264xi1>, vector<128x264xf32>
      %reduce_max3A_237 = arith.constant dense<0xFF800000> : vector<128xf32>
      %reduce_max3A_238 = vector.multi_reduction <maximumf>, %select_n3A_236, %reduce_max3A_237 [1] : vector<128x264xf32> to vector<128xf32>
      %broadcast_in_dim3A_239 = vector.shape_cast %reduce_max3A_238 : vector<128xf32> to vector<128x1xf32>
      %jit3A_240 = arith.constant 1.000000e+10 : f32
      %broadcast_in_dim3A_241 = vector.broadcast %jit3A_240 : f32 to vector<128x264xf32>
      %select_n3A_242 = arith.select %and3A_233, %broadcast_in_dim3A_241, %select_n3A_219 : vector<128x264xi1>, vector<128x264xf32>
      %reduce_min3A_243 = arith.constant dense<0x7F800000> : vector<128xf32>
      %reduce_min3A_244 = vector.multi_reduction <minimumf>, %select_n3A_242, %reduce_min3A_243 [1] : vector<128x264xf32> to vector<128xf32>
      %broadcast_in_dim3A_245 = vector.shape_cast %reduce_min3A_244 : vector<128xf32> to vector<128x1xf32>
      %eq3A_246 = vector.broadcast %broadcast_in_dim3A_245 : vector<128x1xf32> to vector<128x264xf32>
      %eq3A_247 = arith.cmpf oeq, %select_n3A_242, %eq3A_246 : vector<128x264xf32>
      %jit3A_248 = arith.constant 1.000000e+09 : f32
      %broadcast_in_dim3A_249 = vector.broadcast %jit3A_248 : f32 to vector<128x264xf32>
      %select_n3A_250 = arith.select %eq3A_247, %concatenate3A_152, %broadcast_in_dim3A_249 : vector<128x264xi1>, vector<128x264xf32>
      %reduce_min3A_251 = arith.constant dense<0x7F800000> : vector<128xf32>
      %reduce_min3A_252 = vector.multi_reduction <minimumf>, %select_n3A_250, %reduce_min3A_251 [1] : vector<128x264xf32> to vector<128xf32>
      %broadcast_in_dim3A_253 = vector.shape_cast %reduce_min3A_252 : vector<128xf32> to vector<128x1xf32>
      %eq3A_254 = vector.broadcast %broadcast_in_dim3A_253 : vector<128x1xf32> to vector<128x264xf32>
      %eq3A_255 = arith.cmpf oeq, %concatenate3A_152, %eq3A_254 : vector<128x264xf32>
      %and3A_256 = arith.andi %eq3A_247, %eq3A_255 : vector<128x264xi1>
      %jit3A_257 = arith.constant -1.000000e+00 : f32
      %broadcast_in_dim3A_258 = vector.broadcast %jit3A_257 : f32 to vector<128x264xf32>
      %select_n3A_259 = arith.select %and3A_256, %concatenate3A_153, %broadcast_in_dim3A_258 : vector<128x264xi1>, vector<128x264xf32>
      %reduce_max3A_260 = arith.constant dense<0xFF800000> : vector<128xf32>
      %reduce_max3A_261 = vector.multi_reduction <maximumf>, %select_n3A_259, %reduce_max3A_260 [1] : vector<128x264xf32> to vector<128xf32>
      %broadcast_in_dim3A_262 = vector.shape_cast %reduce_max3A_261 : vector<128xf32> to vector<128x1xf32>
      %jit3A_263 = arith.constant 1.000000e+10 : f32
      %broadcast_in_dim3A_264 = vector.broadcast %jit3A_263 : f32 to vector<128x264xf32>
      %select_n3A_265 = arith.select %and3A_256, %broadcast_in_dim3A_264, %select_n3A_242 : vector<128x264xi1>, vector<128x264xf32>
      %reduce_min3A_266 = arith.constant dense<0x7F800000> : vector<128xf32>
      %reduce_min3A_267 = vector.multi_reduction <minimumf>, %select_n3A_265, %reduce_min3A_266 [1] : vector<128x264xf32> to vector<128xf32>
      %broadcast_in_dim3A_268 = vector.shape_cast %reduce_min3A_267 : vector<128xf32> to vector<128x1xf32>
      %eq3A_269 = vector.broadcast %broadcast_in_dim3A_268 : vector<128x1xf32> to vector<128x264xf32>
      %eq3A_270 = arith.cmpf oeq, %select_n3A_265, %eq3A_269 : vector<128x264xf32>
      %jit3A_271 = arith.constant 1.000000e+09 : f32
      %broadcast_in_dim3A_272 = vector.broadcast %jit3A_271 : f32 to vector<128x264xf32>
      %select_n3A_273 = arith.select %eq3A_270, %concatenate3A_152, %broadcast_in_dim3A_272 : vector<128x264xi1>, vector<128x264xf32>
      %reduce_min3A_274 = arith.constant dense<0x7F800000> : vector<128xf32>
      %reduce_min3A_275 = vector.multi_reduction <minimumf>, %select_n3A_273, %reduce_min3A_274 [1] : vector<128x264xf32> to vector<128xf32>
      %broadcast_in_dim3A_276 = vector.shape_cast %reduce_min3A_275 : vector<128xf32> to vector<128x1xf32>
      %eq3A_277 = vector.broadcast %broadcast_in_dim3A_276 : vector<128x1xf32> to vector<128x264xf32>
      %eq3A_278 = arith.cmpf oeq, %concatenate3A_152, %eq3A_277 : vector<128x264xf32>
      %and3A_279 = arith.andi %eq3A_270, %eq3A_278 : vector<128x264xi1>
      %jit3A_280 = arith.constant -1.000000e+00 : f32
      %broadcast_in_dim3A_281 = vector.broadcast %jit3A_280 : f32 to vector<128x264xf32>
      %select_n3A_282 = arith.select %and3A_279, %concatenate3A_153, %broadcast_in_dim3A_281 : vector<128x264xi1>, vector<128x264xf32>
      %reduce_max3A_283 = arith.constant dense<0xFF800000> : vector<128xf32>
      %reduce_max3A_284 = vector.multi_reduction <maximumf>, %select_n3A_282, %reduce_max3A_283 [1] : vector<128x264xf32> to vector<128xf32>
      %broadcast_in_dim3A_285 = vector.shape_cast %reduce_max3A_284 : vector<128xf32> to vector<128x1xf32>
      %jit3A_286 = arith.constant 1.000000e+10 : f32
      %broadcast_in_dim3A_287 = vector.broadcast %jit3A_286 : f32 to vector<128x264xf32>
      %select_n3A_288 = arith.select %and3A_279, %broadcast_in_dim3A_287, %select_n3A_265 : vector<128x264xi1>, vector<128x264xf32>
      %reduce_min3A_289 = arith.constant dense<0x7F800000> : vector<128xf32>
      %reduce_min3A_290 = vector.multi_reduction <minimumf>, %select_n3A_288, %reduce_min3A_289 [1] : vector<128x264xf32> to vector<128xf32>
      %broadcast_in_dim3A_291 = vector.shape_cast %reduce_min3A_290 : vector<128xf32> to vector<128x1xf32>
      %eq3A_292 = vector.broadcast %broadcast_in_dim3A_291 : vector<128x1xf32> to vector<128x264xf32>
      %eq3A_293 = arith.cmpf oeq, %select_n3A_288, %eq3A_292 : vector<128x264xf32>
      %jit3A_294 = arith.constant 1.000000e+09 : f32
      %broadcast_in_dim3A_295 = vector.broadcast %jit3A_294 : f32 to vector<128x264xf32>
      %select_n3A_296 = arith.select %eq3A_293, %concatenate3A_152, %broadcast_in_dim3A_295 : vector<128x264xi1>, vector<128x264xf32>
      %reduce_min3A_297 = arith.constant dense<0x7F800000> : vector<128xf32>
      %reduce_min3A_298 = vector.multi_reduction <minimumf>, %select_n3A_296, %reduce_min3A_297 [1] : vector<128x264xf32> to vector<128xf32>
      %broadcast_in_dim3A_299 = vector.shape_cast %reduce_min3A_298 : vector<128xf32> to vector<128x1xf32>
      %eq3A_300 = vector.broadcast %broadcast_in_dim3A_299 : vector<128x1xf32> to vector<128x264xf32>
      %eq3A_301 = arith.cmpf oeq, %concatenate3A_152, %eq3A_300 : vector<128x264xf32>
      %and3A_302 = arith.andi %eq3A_293, %eq3A_301 : vector<128x264xi1>
      %jit3A_303 = arith.constant -1.000000e+00 : f32
      %broadcast_in_dim3A_304 = vector.broadcast %jit3A_303 : f32 to vector<128x264xf32>
      %select_n3A_305 = arith.select %and3A_302, %concatenate3A_153, %broadcast_in_dim3A_304 : vector<128x264xi1>, vector<128x264xf32>
      %reduce_max3A_306 = arith.constant dense<0xFF800000> : vector<128xf32>
      %reduce_max3A_307 = vector.multi_reduction <maximumf>, %select_n3A_305, %reduce_max3A_306 [1] : vector<128x264xf32> to vector<128xf32>
      %broadcast_in_dim3A_308 = vector.shape_cast %reduce_max3A_307 : vector<128xf32> to vector<128x1xf32>
      %jit3A_309 = arith.constant 1.000000e+10 : f32
      %broadcast_in_dim3A_310 = vector.broadcast %jit3A_309 : f32 to vector<128x264xf32>
      %select_n3A_311 = arith.select %and3A_302, %broadcast_in_dim3A_310, %select_n3A_288 : vector<128x264xi1>, vector<128x264xf32>
      %reduce_min3A_312 = arith.constant dense<0x7F800000> : vector<128xf32>
      %reduce_min3A_313 = vector.multi_reduction <minimumf>, %select_n3A_311, %reduce_min3A_312 [1] : vector<128x264xf32> to vector<128xf32>
      %broadcast_in_dim3A_314 = vector.shape_cast %reduce_min3A_313 : vector<128xf32> to vector<128x1xf32>
      %eq3A_315 = vector.broadcast %broadcast_in_dim3A_314 : vector<128x1xf32> to vector<128x264xf32>
      %eq3A_316 = arith.cmpf oeq, %select_n3A_311, %eq3A_315 : vector<128x264xf32>
      %jit3A_317 = arith.constant 1.000000e+09 : f32
      %broadcast_in_dim3A_318 = vector.broadcast %jit3A_317 : f32 to vector<128x264xf32>
      %select_n3A_319 = arith.select %eq3A_316, %concatenate3A_152, %broadcast_in_dim3A_318 : vector<128x264xi1>, vector<128x264xf32>
      %reduce_min3A_320 = arith.constant dense<0x7F800000> : vector<128xf32>
      %reduce_min3A_321 = vector.multi_reduction <minimumf>, %select_n3A_319, %reduce_min3A_320 [1] : vector<128x264xf32> to vector<128xf32>
      %broadcast_in_dim3A_322 = vector.shape_cast %reduce_min3A_321 : vector<128xf32> to vector<128x1xf32>
      %eq3A_323 = vector.broadcast %broadcast_in_dim3A_322 : vector<128x1xf32> to vector<128x264xf32>
      %eq3A_324 = arith.cmpf oeq, %concatenate3A_152, %eq3A_323 : vector<128x264xf32>
      %and3A_325 = arith.andi %eq3A_316, %eq3A_324 : vector<128x264xi1>
      %jit3A_326 = arith.constant -1.000000e+00 : f32
      %broadcast_in_dim3A_327 = vector.broadcast %jit3A_326 : f32 to vector<128x264xf32>
      %select_n3A_328 = arith.select %and3A_325, %concatenate3A_153, %broadcast_in_dim3A_327 : vector<128x264xi1>, vector<128x264xf32>
      %reduce_max3A_329 = arith.constant dense<0xFF800000> : vector<128xf32>
      %reduce_max3A_330 = vector.multi_reduction <maximumf>, %select_n3A_328, %reduce_max3A_329 [1] : vector<128x264xf32> to vector<128xf32>
      %broadcast_in_dim3A_331 = vector.shape_cast %reduce_max3A_330 : vector<128xf32> to vector<128x1xf32>
      %jit3A_332 = arith.constant 1.000000e+10 : f32
      %broadcast_in_dim3A_333 = vector.broadcast %jit3A_332 : f32 to vector<128x264xf32>
      %select_n3A_334 = arith.select %and3A_325, %broadcast_in_dim3A_333, %select_n3A_311 : vector<128x264xi1>, vector<128x264xf32>
      %concatenate3A_335 = tpu.concatenate %broadcast_in_dim3A_155, %broadcast_in_dim3A_176, %broadcast_in_dim3A_199, %broadcast_in_dim3A_222, %broadcast_in_dim3A_245, %broadcast_in_dim3A_268, %broadcast_in_dim3A_291, %broadcast_in_dim3A_314 in 1 : vector<128x1xf32>, vector<128x1xf32>, vector<128x1xf32>, vector<128x1xf32>, vector<128x1xf32>, vector<128x1xf32>, vector<128x1xf32>, vector<128x1xf32> -> vector<128x8xf32>
      %concatenate3A_336 = tpu.concatenate %broadcast_in_dim3A_162, %broadcast_in_dim3A_184, %broadcast_in_dim3A_207, %broadcast_in_dim3A_230, %broadcast_in_dim3A_253, %broadcast_in_dim3A_276, %broadcast_in_dim3A_299, %broadcast_in_dim3A_322 in 1 : vector<128x1xf32>, vector<128x1xf32>, vector<128x1xf32>, vector<128x1xf32>, vector<128x1xf32>, vector<128x1xf32>, vector<128x1xf32>, vector<128x1xf32> -> vector<128x8xf32>
      %concatenate3A_337 = tpu.concatenate %broadcast_in_dim3A_170, %broadcast_in_dim3A_193, %broadcast_in_dim3A_216, %broadcast_in_dim3A_239, %broadcast_in_dim3A_262, %broadcast_in_dim3A_285, %broadcast_in_dim3A_308, %broadcast_in_dim3A_331 in 1 : vector<128x1xf32>, vector<128x1xf32>, vector<128x1xf32>, vector<128x1xf32>, vector<128x1xf32>, vector<128x1xf32>, vector<128x1xf32>, vector<128x1xf32> -> vector<128x8xf32>
      scf.yield %concatenate3A_335, %concatenate3A_336, %concatenate3A_337 : vector<128x8xf32>, vector<128x8xf32>, vector<128x8xf32>
    }
    %while3A_26 = arith.constant 1 : i32
    %while3A_27:3 = scf.for %while3A_55 = %while3A_23 to %while3A_19 step %while3A_26 iter_args(%while3A_56 = %while3A_25#0, %while3A_57 = %while3A_25#1, %while3A_58 = %while3A_25#2) -> (vector<128x8xf32>, vector<128x8xf32>, vector<128x8xf32>)  : i32 {
      %add3A_59 = arith.addi %get3A_2, %while3A_55 : i32
      %mul3A_60 = arith.constant 2 : i32
      %mul3A_61 = arith.muli %add3A_59, %mul3A_60 : i32
      %add3A_62 = arith.constant 0 : i32
      %add3A_63 = arith.addi %mul3A_61, %add3A_62 : i32
      %get3A_64 = arith.index_cast %add3A_63 : i32 to index
      %get3A_65 = arith.constant 0 : index
      %get3A_66 = vector.load %arg4[%get3A_64, %get3A_65] : memref<160x128xf32, #tpu.memory_space<vmem>>, vector<1x128xf32>
      %add3A_67 = arith.constant 0 : i32
      %add3A_68 = arith.addi %mul3A_61, %add3A_67 : i32
      %get3A_69 = arith.index_cast %add3A_68 : i32 to index
      %get3A_70 = arith.constant 0 : index
      %get3A_71 = vector.load %arg5[%get3A_69, %get3A_70] : memref<160x128xf32, #tpu.memory_space<vmem>>, vector<1x128xf32>
      %add3A_72 = arith.constant 0 : i32
      %add3A_73 = arith.addi %mul3A_61, %add3A_72 : i32
      %get3A_74 = arith.index_cast %add3A_73 : i32 to index
      %get3A_75 = arith.constant 0 : index
      %get3A_76 = vector.load %arg6[%get3A_74, %get3A_75] : memref<160x128xf32, #tpu.memory_space<vmem>>, vector<1x128xf32>
      %add3A_77 = arith.constant 0 : i32
      %add3A_78 = arith.addi %mul3A_61, %add3A_77 : i32
      %get3A_79 = arith.index_cast %add3A_78 : i32 to index
      %get3A_80 = arith.constant 0 : index
      %get3A_81 = vector.load %arg7[%get3A_79, %get3A_80] : memref<160x128xf32, #tpu.memory_space<vmem>>, vector<1x128xf32>
      %sub3A_82 = vector.broadcast %get3A_66 : vector<1x128xf32> to vector<128x128xf32>
      %sub3A_83 = arith.subf %sub3A_12, %sub3A_82 : vector<128x128xf32>
      %sub3A_84 = vector.broadcast %get3A_0 : f32 to vector<1x128xf32>
      %sub3A_85 = arith.subf %sub3A_84, %get3A_71 : vector<1x128xf32>
      %mul3A_86 = arith.mulf %sub3A_83, %sub3A_83 : vector<128x128xf32>
      %mul3A_87 = arith.mulf %sub3A_85, %sub3A_85 : vector<1x128xf32>
      %add3A_88 = vector.broadcast %mul3A_87 : vector<1x128xf32> to vector<128x128xf32>
      %add3A_89 = arith.addf %mul3A_86, %add3A_88 : vector<128x128xf32>
      %lt3A_90 = arith.constant 4.000000e-04 : f32
      %lt3A_91 = vector.broadcast %lt3A_90 : f32 to vector<128x128xf32>
      %lt3A_92 = arith.cmpf olt, %add3A_89, %lt3A_91 : vector<128x128xf32>
      %gt3A = arith.constant 0.000000e+00 : f32
      %gt3A_93 = vector.broadcast %gt3A : f32 to vector<1x128xf32>
      %gt3A_94 = arith.cmpf ogt, %get3A_76, %gt3A_93 : vector<1x128xf32>
      %and3A = vector.broadcast %gt3A_94 : vector<1x128xi1> to vector<128x128xi1>
      %and3A_95 = arith.andi %lt3A_92, %and3A : vector<128x128xi1>
      %jit3A_96 = arith.constant 1.000000e+10 : f32
      %broadcast_in_dim3A_97 = vector.shape_cast %get3A_76 : vector<1x128xf32> to vector<1x128xf32>
      %broadcast_in_dim3A_98 = vector.broadcast %broadcast_in_dim3A_97 : vector<1x128xf32> to vector<128x128xf32>
      %broadcast_in_dim3A_99 = vector.broadcast %jit3A_96 : f32 to vector<128x128xf32>
      %select_n3A_100 = arith.select %and3A_95, %broadcast_in_dim3A_98, %broadcast_in_dim3A_99 : vector<128x128xi1>, vector<128x128xf32>
      %jit3A_101 = arith.constant 1.000000e+09 : f32
      %broadcast_in_dim3A_102 = vector.shape_cast %get3A_81 : vector<1x128xf32> to vector<1x128xf32>
      %broadcast_in_dim3A_103 = vector.broadcast %broadcast_in_dim3A_102 : vector<1x128xf32> to vector<128x128xf32>
      %broadcast_in_dim3A_104 = vector.broadcast %jit3A_101 : f32 to vector<128x128xf32>
      %select_n3A_105 = arith.select %and3A_95, %broadcast_in_dim3A_103, %broadcast_in_dim3A_104 : vector<128x128xi1>, vector<128x128xf32>
      %add3A_106 = arith.constant 1 : i32
      %add3A_107 = arith.addi %mul3A_61, %add3A_106 : i32
      %get3A_108 = arith.index_cast %add3A_107 : i32 to index
      %get3A_109 = arith.constant 0 : index
      %get3A_110 = vector.load %arg4[%get3A_108, %get3A_109] : memref<160x128xf32, #tpu.memory_space<vmem>>, vector<1x128xf32>
      %add3A_111 = arith.constant 1 : i32
      %add3A_112 = arith.addi %mul3A_61, %add3A_111 : i32
      %get3A_113 = arith.index_cast %add3A_112 : i32 to index
      %get3A_114 = arith.constant 0 : index
      %get3A_115 = vector.load %arg5[%get3A_113, %get3A_114] : memref<160x128xf32, #tpu.memory_space<vmem>>, vector<1x128xf32>
      %add3A_116 = arith.constant 1 : i32
      %add3A_117 = arith.addi %mul3A_61, %add3A_116 : i32
      %get3A_118 = arith.index_cast %add3A_117 : i32 to index
      %get3A_119 = arith.constant 0 : index
      %get3A_120 = vector.load %arg6[%get3A_118, %get3A_119] : memref<160x128xf32, #tpu.memory_space<vmem>>, vector<1x128xf32>
      %add3A_121 = arith.constant 1 : i32
      %add3A_122 = arith.addi %mul3A_61, %add3A_121 : i32
      %get3A_123 = arith.index_cast %add3A_122 : i32 to index
      %get3A_124 = arith.constant 0 : index
      %get3A_125 = vector.load %arg7[%get3A_123, %get3A_124] : memref<160x128xf32, #tpu.memory_space<vmem>>, vector<1x128xf32>
      %sub3A_126 = vector.broadcast %get3A_110 : vector<1x128xf32> to vector<128x128xf32>
      %sub3A_127 = arith.subf %sub3A_12, %sub3A_126 : vector<128x128xf32>
      %sub3A_128 = vector.broadcast %get3A_0 : f32 to vector<1x128xf32>
      %sub3A_129 = arith.subf %sub3A_128, %get3A_115 : vector<1x128xf32>
      %mul3A_130 = arith.mulf %sub3A_127, %sub3A_127 : vector<128x128xf32>
      %mul3A_131 = arith.mulf %sub3A_129, %sub3A_129 : vector<1x128xf32>
      %add3A_132 = vector.broadcast %mul3A_131 : vector<1x128xf32> to vector<128x128xf32>
      %add3A_133 = arith.addf %mul3A_130, %add3A_132 : vector<128x128xf32>
      %lt3A_134 = arith.constant 4.000000e-04 : f32
      %lt3A_135 = vector.broadcast %lt3A_134 : f32 to vector<128x128xf32>
      %lt3A_136 = arith.cmpf olt, %add3A_133, %lt3A_135 : vector<128x128xf32>
      %gt3A_137 = arith.constant 0.000000e+00 : f32
      %gt3A_138 = vector.broadcast %gt3A_137 : f32 to vector<1x128xf32>
      %gt3A_139 = arith.cmpf ogt, %get3A_120, %gt3A_138 : vector<1x128xf32>
      %and3A_140 = vector.broadcast %gt3A_139 : vector<1x128xi1> to vector<128x128xi1>
      %and3A_141 = arith.andi %lt3A_136, %and3A_140 : vector<128x128xi1>
      %jit3A_142 = arith.constant 1.000000e+10 : f32
      %broadcast_in_dim3A_143 = vector.shape_cast %get3A_120 : vector<1x128xf32> to vector<1x128xf32>
      %broadcast_in_dim3A_144 = vector.broadcast %broadcast_in_dim3A_143 : vector<1x128xf32> to vector<128x128xf32>
      %broadcast_in_dim3A_145 = vector.broadcast %jit3A_142 : f32 to vector<128x128xf32>
      %select_n3A_146 = arith.select %and3A_141, %broadcast_in_dim3A_144, %broadcast_in_dim3A_145 : vector<128x128xi1>, vector<128x128xf32>
      %jit3A_147 = arith.constant 1.000000e+09 : f32
      %broadcast_in_dim3A_148 = vector.shape_cast %get3A_125 : vector<1x128xf32> to vector<1x128xf32>
      %broadcast_in_dim3A_149 = vector.broadcast %broadcast_in_dim3A_148 : vector<1x128xf32> to vector<128x128xf32>
      %broadcast_in_dim3A_150 = vector.broadcast %jit3A_147 : f32 to vector<128x128xf32>
      %select_n3A_151 = arith.select %and3A_141, %broadcast_in_dim3A_149, %broadcast_in_dim3A_150 : vector<128x128xi1>, vector<128x128xf32>
      %concatenate3A = tpu.concatenate %while3A_56, %select_n3A_100, %select_n3A_146 in 1 : vector<128x8xf32>, vector<128x128xf32>, vector<128x128xf32> -> vector<128x264xf32>
      %concatenate3A_152 = tpu.concatenate %while3A_57, %select_n3A_105, %select_n3A_151 in 1 : vector<128x8xf32>, vector<128x128xf32>, vector<128x128xf32> -> vector<128x264xf32>
      %concatenate3A_153 = tpu.concatenate %while3A_58, %add3A_89, %add3A_133 in 1 : vector<128x8xf32>, vector<128x128xf32>, vector<128x128xf32> -> vector<128x264xf32>
      %reduce_min3A = arith.constant dense<0x7F800000> : vector<128xf32>
      %reduce_min3A_154 = vector.multi_reduction <minimumf>, %concatenate3A, %reduce_min3A [1] : vector<128x264xf32> to vector<128xf32>
      %broadcast_in_dim3A_155 = vector.shape_cast %reduce_min3A_154 : vector<128xf32> to vector<128x1xf32>
      %eq3A = vector.broadcast %broadcast_in_dim3A_155 : vector<128x1xf32> to vector<128x264xf32>
      %eq3A_156 = arith.cmpf oeq, %concatenate3A, %eq3A : vector<128x264xf32>
      %jit3A_157 = arith.constant 1.000000e+09 : f32
      %broadcast_in_dim3A_158 = vector.broadcast %jit3A_157 : f32 to vector<128x264xf32>
      %select_n3A_159 = arith.select %eq3A_156, %concatenate3A_152, %broadcast_in_dim3A_158 : vector<128x264xi1>, vector<128x264xf32>
      %reduce_min3A_160 = arith.constant dense<0x7F800000> : vector<128xf32>
      %reduce_min3A_161 = vector.multi_reduction <minimumf>, %select_n3A_159, %reduce_min3A_160 [1] : vector<128x264xf32> to vector<128xf32>
      %broadcast_in_dim3A_162 = vector.shape_cast %reduce_min3A_161 : vector<128xf32> to vector<128x1xf32>
      %eq3A_163 = vector.broadcast %broadcast_in_dim3A_162 : vector<128x1xf32> to vector<128x264xf32>
      %eq3A_164 = arith.cmpf oeq, %concatenate3A_152, %eq3A_163 : vector<128x264xf32>
      %and3A_165 = arith.andi %eq3A_156, %eq3A_164 : vector<128x264xi1>
      %jit3A_166 = arith.constant -1.000000e+00 : f32
      %broadcast_in_dim3A_167 = vector.broadcast %jit3A_166 : f32 to vector<128x264xf32>
      %select_n3A_168 = arith.select %and3A_165, %concatenate3A_153, %broadcast_in_dim3A_167 : vector<128x264xi1>, vector<128x264xf32>
      %reduce_max3A = arith.constant dense<0xFF800000> : vector<128xf32>
      %reduce_max3A_169 = vector.multi_reduction <maximumf>, %select_n3A_168, %reduce_max3A [1] : vector<128x264xf32> to vector<128xf32>
      %broadcast_in_dim3A_170 = vector.shape_cast %reduce_max3A_169 : vector<128xf32> to vector<128x1xf32>
      %jit3A_171 = arith.constant 1.000000e+10 : f32
      %broadcast_in_dim3A_172 = vector.broadcast %jit3A_171 : f32 to vector<128x264xf32>
      %select_n3A_173 = arith.select %and3A_165, %broadcast_in_dim3A_172, %concatenate3A : vector<128x264xi1>, vector<128x264xf32>
      %reduce_min3A_174 = arith.constant dense<0x7F800000> : vector<128xf32>
      %reduce_min3A_175 = vector.multi_reduction <minimumf>, %select_n3A_173, %reduce_min3A_174 [1] : vector<128x264xf32> to vector<128xf32>
      %broadcast_in_dim3A_176 = vector.shape_cast %reduce_min3A_175 : vector<128xf32> to vector<128x1xf32>
      %eq3A_177 = vector.broadcast %broadcast_in_dim3A_176 : vector<128x1xf32> to vector<128x264xf32>
      %eq3A_178 = arith.cmpf oeq, %select_n3A_173, %eq3A_177 : vector<128x264xf32>
      %jit3A_179 = arith.constant 1.000000e+09 : f32
      %broadcast_in_dim3A_180 = vector.broadcast %jit3A_179 : f32 to vector<128x264xf32>
      %select_n3A_181 = arith.select %eq3A_178, %concatenate3A_152, %broadcast_in_dim3A_180 : vector<128x264xi1>, vector<128x264xf32>
      %reduce_min3A_182 = arith.constant dense<0x7F800000> : vector<128xf32>
      %reduce_min3A_183 = vector.multi_reduction <minimumf>, %select_n3A_181, %reduce_min3A_182 [1] : vector<128x264xf32> to vector<128xf32>
      %broadcast_in_dim3A_184 = vector.shape_cast %reduce_min3A_183 : vector<128xf32> to vector<128x1xf32>
      %eq3A_185 = vector.broadcast %broadcast_in_dim3A_184 : vector<128x1xf32> to vector<128x264xf32>
      %eq3A_186 = arith.cmpf oeq, %concatenate3A_152, %eq3A_185 : vector<128x264xf32>
      %and3A_187 = arith.andi %eq3A_178, %eq3A_186 : vector<128x264xi1>
      %jit3A_188 = arith.constant -1.000000e+00 : f32
      %broadcast_in_dim3A_189 = vector.broadcast %jit3A_188 : f32 to vector<128x264xf32>
      %select_n3A_190 = arith.select %and3A_187, %concatenate3A_153, %broadcast_in_dim3A_189 : vector<128x264xi1>, vector<128x264xf32>
      %reduce_max3A_191 = arith.constant dense<0xFF800000> : vector<128xf32>
      %reduce_max3A_192 = vector.multi_reduction <maximumf>, %select_n3A_190, %reduce_max3A_191 [1] : vector<128x264xf32> to vector<128xf32>
      %broadcast_in_dim3A_193 = vector.shape_cast %reduce_max3A_192 : vector<128xf32> to vector<128x1xf32>
      %jit3A_194 = arith.constant 1.000000e+10 : f32
      %broadcast_in_dim3A_195 = vector.broadcast %jit3A_194 : f32 to vector<128x264xf32>
      %select_n3A_196 = arith.select %and3A_187, %broadcast_in_dim3A_195, %select_n3A_173 : vector<128x264xi1>, vector<128x264xf32>
      %reduce_min3A_197 = arith.constant dense<0x7F800000> : vector<128xf32>
      %reduce_min3A_198 = vector.multi_reduction <minimumf>, %select_n3A_196, %reduce_min3A_197 [1] : vector<128x264xf32> to vector<128xf32>
      %broadcast_in_dim3A_199 = vector.shape_cast %reduce_min3A_198 : vector<128xf32> to vector<128x1xf32>
      %eq3A_200 = vector.broadcast %broadcast_in_dim3A_199 : vector<128x1xf32> to vector<128x264xf32>
      %eq3A_201 = arith.cmpf oeq, %select_n3A_196, %eq3A_200 : vector<128x264xf32>
      %jit3A_202 = arith.constant 1.000000e+09 : f32
      %broadcast_in_dim3A_203 = vector.broadcast %jit3A_202 : f32 to vector<128x264xf32>
      %select_n3A_204 = arith.select %eq3A_201, %concatenate3A_152, %broadcast_in_dim3A_203 : vector<128x264xi1>, vector<128x264xf32>
      %reduce_min3A_205 = arith.constant dense<0x7F800000> : vector<128xf32>
      %reduce_min3A_206 = vector.multi_reduction <minimumf>, %select_n3A_204, %reduce_min3A_205 [1] : vector<128x264xf32> to vector<128xf32>
      %broadcast_in_dim3A_207 = vector.shape_cast %reduce_min3A_206 : vector<128xf32> to vector<128x1xf32>
      %eq3A_208 = vector.broadcast %broadcast_in_dim3A_207 : vector<128x1xf32> to vector<128x264xf32>
      %eq3A_209 = arith.cmpf oeq, %concatenate3A_152, %eq3A_208 : vector<128x264xf32>
      %and3A_210 = arith.andi %eq3A_201, %eq3A_209 : vector<128x264xi1>
      %jit3A_211 = arith.constant -1.000000e+00 : f32
      %broadcast_in_dim3A_212 = vector.broadcast %jit3A_211 : f32 to vector<128x264xf32>
      %select_n3A_213 = arith.select %and3A_210, %concatenate3A_153, %broadcast_in_dim3A_212 : vector<128x264xi1>, vector<128x264xf32>
      %reduce_max3A_214 = arith.constant dense<0xFF800000> : vector<128xf32>
      %reduce_max3A_215 = vector.multi_reduction <maximumf>, %select_n3A_213, %reduce_max3A_214 [1] : vector<128x264xf32> to vector<128xf32>
      %broadcast_in_dim3A_216 = vector.shape_cast %reduce_max3A_215 : vector<128xf32> to vector<128x1xf32>
      %jit3A_217 = arith.constant 1.000000e+10 : f32
      %broadcast_in_dim3A_218 = vector.broadcast %jit3A_217 : f32 to vector<128x264xf32>
      %select_n3A_219 = arith.select %and3A_210, %broadcast_in_dim3A_218, %select_n3A_196 : vector<128x264xi1>, vector<128x264xf32>
      %reduce_min3A_220 = arith.constant dense<0x7F800000> : vector<128xf32>
      %reduce_min3A_221 = vector.multi_reduction <minimumf>, %select_n3A_219, %reduce_min3A_220 [1] : vector<128x264xf32> to vector<128xf32>
      %broadcast_in_dim3A_222 = vector.shape_cast %reduce_min3A_221 : vector<128xf32> to vector<128x1xf32>
      %eq3A_223 = vector.broadcast %broadcast_in_dim3A_222 : vector<128x1xf32> to vector<128x264xf32>
      %eq3A_224 = arith.cmpf oeq, %select_n3A_219, %eq3A_223 : vector<128x264xf32>
      %jit3A_225 = arith.constant 1.000000e+09 : f32
      %broadcast_in_dim3A_226 = vector.broadcast %jit3A_225 : f32 to vector<128x264xf32>
      %select_n3A_227 = arith.select %eq3A_224, %concatenate3A_152, %broadcast_in_dim3A_226 : vector<128x264xi1>, vector<128x264xf32>
      %reduce_min3A_228 = arith.constant dense<0x7F800000> : vector<128xf32>
      %reduce_min3A_229 = vector.multi_reduction <minimumf>, %select_n3A_227, %reduce_min3A_228 [1] : vector<128x264xf32> to vector<128xf32>
      %broadcast_in_dim3A_230 = vector.shape_cast %reduce_min3A_229 : vector<128xf32> to vector<128x1xf32>
      %eq3A_231 = vector.broadcast %broadcast_in_dim3A_230 : vector<128x1xf32> to vector<128x264xf32>
      %eq3A_232 = arith.cmpf oeq, %concatenate3A_152, %eq3A_231 : vector<128x264xf32>
      %and3A_233 = arith.andi %eq3A_224, %eq3A_232 : vector<128x264xi1>
      %jit3A_234 = arith.constant -1.000000e+00 : f32
      %broadcast_in_dim3A_235 = vector.broadcast %jit3A_234 : f32 to vector<128x264xf32>
      %select_n3A_236 = arith.select %and3A_233, %concatenate3A_153, %broadcast_in_dim3A_235 : vector<128x264xi1>, vector<128x264xf32>
      %reduce_max3A_237 = arith.constant dense<0xFF800000> : vector<128xf32>
      %reduce_max3A_238 = vector.multi_reduction <maximumf>, %select_n3A_236, %reduce_max3A_237 [1] : vector<128x264xf32> to vector<128xf32>
      %broadcast_in_dim3A_239 = vector.shape_cast %reduce_max3A_238 : vector<128xf32> to vector<128x1xf32>
      %jit3A_240 = arith.constant 1.000000e+10 : f32
      %broadcast_in_dim3A_241 = vector.broadcast %jit3A_240 : f32 to vector<128x264xf32>
      %select_n3A_242 = arith.select %and3A_233, %broadcast_in_dim3A_241, %select_n3A_219 : vector<128x264xi1>, vector<128x264xf32>
      %reduce_min3A_243 = arith.constant dense<0x7F800000> : vector<128xf32>
      %reduce_min3A_244 = vector.multi_reduction <minimumf>, %select_n3A_242, %reduce_min3A_243 [1] : vector<128x264xf32> to vector<128xf32>
      %broadcast_in_dim3A_245 = vector.shape_cast %reduce_min3A_244 : vector<128xf32> to vector<128x1xf32>
      %eq3A_246 = vector.broadcast %broadcast_in_dim3A_245 : vector<128x1xf32> to vector<128x264xf32>
      %eq3A_247 = arith.cmpf oeq, %select_n3A_242, %eq3A_246 : vector<128x264xf32>
      %jit3A_248 = arith.constant 1.000000e+09 : f32
      %broadcast_in_dim3A_249 = vector.broadcast %jit3A_248 : f32 to vector<128x264xf32>
      %select_n3A_250 = arith.select %eq3A_247, %concatenate3A_152, %broadcast_in_dim3A_249 : vector<128x264xi1>, vector<128x264xf32>
      %reduce_min3A_251 = arith.constant dense<0x7F800000> : vector<128xf32>
      %reduce_min3A_252 = vector.multi_reduction <minimumf>, %select_n3A_250, %reduce_min3A_251 [1] : vector<128x264xf32> to vector<128xf32>
      %broadcast_in_dim3A_253 = vector.shape_cast %reduce_min3A_252 : vector<128xf32> to vector<128x1xf32>
      %eq3A_254 = vector.broadcast %broadcast_in_dim3A_253 : vector<128x1xf32> to vector<128x264xf32>
      %eq3A_255 = arith.cmpf oeq, %concatenate3A_152, %eq3A_254 : vector<128x264xf32>
      %and3A_256 = arith.andi %eq3A_247, %eq3A_255 : vector<128x264xi1>
      %jit3A_257 = arith.constant -1.000000e+00 : f32
      %broadcast_in_dim3A_258 = vector.broadcast %jit3A_257 : f32 to vector<128x264xf32>
      %select_n3A_259 = arith.select %and3A_256, %concatenate3A_153, %broadcast_in_dim3A_258 : vector<128x264xi1>, vector<128x264xf32>
      %reduce_max3A_260 = arith.constant dense<0xFF800000> : vector<128xf32>
      %reduce_max3A_261 = vector.multi_reduction <maximumf>, %select_n3A_259, %reduce_max3A_260 [1] : vector<128x264xf32> to vector<128xf32>
      %broadcast_in_dim3A_262 = vector.shape_cast %reduce_max3A_261 : vector<128xf32> to vector<128x1xf32>
      %jit3A_263 = arith.constant 1.000000e+10 : f32
      %broadcast_in_dim3A_264 = vector.broadcast %jit3A_263 : f32 to vector<128x264xf32>
      %select_n3A_265 = arith.select %and3A_256, %broadcast_in_dim3A_264, %select_n3A_242 : vector<128x264xi1>, vector<128x264xf32>
      %reduce_min3A_266 = arith.constant dense<0x7F800000> : vector<128xf32>
      %reduce_min3A_267 = vector.multi_reduction <minimumf>, %select_n3A_265, %reduce_min3A_266 [1] : vector<128x264xf32> to vector<128xf32>
      %broadcast_in_dim3A_268 = vector.shape_cast %reduce_min3A_267 : vector<128xf32> to vector<128x1xf32>
      %eq3A_269 = vector.broadcast %broadcast_in_dim3A_268 : vector<128x1xf32> to vector<128x264xf32>
      %eq3A_270 = arith.cmpf oeq, %select_n3A_265, %eq3A_269 : vector<128x264xf32>
      %jit3A_271 = arith.constant 1.000000e+09 : f32
      %broadcast_in_dim3A_272 = vector.broadcast %jit3A_271 : f32 to vector<128x264xf32>
      %select_n3A_273 = arith.select %eq3A_270, %concatenate3A_152, %broadcast_in_dim3A_272 : vector<128x264xi1>, vector<128x264xf32>
      %reduce_min3A_274 = arith.constant dense<0x7F800000> : vector<128xf32>
      %reduce_min3A_275 = vector.multi_reduction <minimumf>, %select_n3A_273, %reduce_min3A_274 [1] : vector<128x264xf32> to vector<128xf32>
      %broadcast_in_dim3A_276 = vector.shape_cast %reduce_min3A_275 : vector<128xf32> to vector<128x1xf32>
      %eq3A_277 = vector.broadcast %broadcast_in_dim3A_276 : vector<128x1xf32> to vector<128x264xf32>
      %eq3A_278 = arith.cmpf oeq, %concatenate3A_152, %eq3A_277 : vector<128x264xf32>
      %and3A_279 = arith.andi %eq3A_270, %eq3A_278 : vector<128x264xi1>
      %jit3A_280 = arith.constant -1.000000e+00 : f32
      %broadcast_in_dim3A_281 = vector.broadcast %jit3A_280 : f32 to vector<128x264xf32>
      %select_n3A_282 = arith.select %and3A_279, %concatenate3A_153, %broadcast_in_dim3A_281 : vector<128x264xi1>, vector<128x264xf32>
      %reduce_max3A_283 = arith.constant dense<0xFF800000> : vector<128xf32>
      %reduce_max3A_284 = vector.multi_reduction <maximumf>, %select_n3A_282, %reduce_max3A_283 [1] : vector<128x264xf32> to vector<128xf32>
      %broadcast_in_dim3A_285 = vector.shape_cast %reduce_max3A_284 : vector<128xf32> to vector<128x1xf32>
      %jit3A_286 = arith.constant 1.000000e+10 : f32
      %broadcast_in_dim3A_287 = vector.broadcast %jit3A_286 : f32 to vector<128x264xf32>
      %select_n3A_288 = arith.select %and3A_279, %broadcast_in_dim3A_287, %select_n3A_265 : vector<128x264xi1>, vector<128x264xf32>
      %reduce_min3A_289 = arith.constant dense<0x7F800000> : vector<128xf32>
      %reduce_min3A_290 = vector.multi_reduction <minimumf>, %select_n3A_288, %reduce_min3A_289 [1] : vector<128x264xf32> to vector<128xf32>
      %broadcast_in_dim3A_291 = vector.shape_cast %reduce_min3A_290 : vector<128xf32> to vector<128x1xf32>
      %eq3A_292 = vector.broadcast %broadcast_in_dim3A_291 : vector<128x1xf32> to vector<128x264xf32>
      %eq3A_293 = arith.cmpf oeq, %select_n3A_288, %eq3A_292 : vector<128x264xf32>
      %jit3A_294 = arith.constant 1.000000e+09 : f32
      %broadcast_in_dim3A_295 = vector.broadcast %jit3A_294 : f32 to vector<128x264xf32>
      %select_n3A_296 = arith.select %eq3A_293, %concatenate3A_152, %broadcast_in_dim3A_295 : vector<128x264xi1>, vector<128x264xf32>
      %reduce_min3A_297 = arith.constant dense<0x7F800000> : vector<128xf32>
      %reduce_min3A_298 = vector.multi_reduction <minimumf>, %select_n3A_296, %reduce_min3A_297 [1] : vector<128x264xf32> to vector<128xf32>
      %broadcast_in_dim3A_299 = vector.shape_cast %reduce_min3A_298 : vector<128xf32> to vector<128x1xf32>
      %eq3A_300 = vector.broadcast %broadcast_in_dim3A_299 : vector<128x1xf32> to vector<128x264xf32>
      %eq3A_301 = arith.cmpf oeq, %concatenate3A_152, %eq3A_300 : vector<128x264xf32>
      %and3A_302 = arith.andi %eq3A_293, %eq3A_301 : vector<128x264xi1>
      %jit3A_303 = arith.constant -1.000000e+00 : f32
      %broadcast_in_dim3A_304 = vector.broadcast %jit3A_303 : f32 to vector<128x264xf32>
      %select_n3A_305 = arith.select %and3A_302, %concatenate3A_153, %broadcast_in_dim3A_304 : vector<128x264xi1>, vector<128x264xf32>
      %reduce_max3A_306 = arith.constant dense<0xFF800000> : vector<128xf32>
      %reduce_max3A_307 = vector.multi_reduction <maximumf>, %select_n3A_305, %reduce_max3A_306 [1] : vector<128x264xf32> to vector<128xf32>
      %broadcast_in_dim3A_308 = vector.shape_cast %reduce_max3A_307 : vector<128xf32> to vector<128x1xf32>
      %jit3A_309 = arith.constant 1.000000e+10 : f32
      %broadcast_in_dim3A_310 = vector.broadcast %jit3A_309 : f32 to vector<128x264xf32>
      %select_n3A_311 = arith.select %and3A_302, %broadcast_in_dim3A_310, %select_n3A_288 : vector<128x264xi1>, vector<128x264xf32>
      %reduce_min3A_312 = arith.constant dense<0x7F800000> : vector<128xf32>
      %reduce_min3A_313 = vector.multi_reduction <minimumf>, %select_n3A_311, %reduce_min3A_312 [1] : vector<128x264xf32> to vector<128xf32>
      %broadcast_in_dim3A_314 = vector.shape_cast %reduce_min3A_313 : vector<128xf32> to vector<128x1xf32>
      %eq3A_315 = vector.broadcast %broadcast_in_dim3A_314 : vector<128x1xf32> to vector<128x264xf32>
      %eq3A_316 = arith.cmpf oeq, %select_n3A_311, %eq3A_315 : vector<128x264xf32>
      %jit3A_317 = arith.constant 1.000000e+09 : f32
      %broadcast_in_dim3A_318 = vector.broadcast %jit3A_317 : f32 to vector<128x264xf32>
      %select_n3A_319 = arith.select %eq3A_316, %concatenate3A_152, %broadcast_in_dim3A_318 : vector<128x264xi1>, vector<128x264xf32>
      %reduce_min3A_320 = arith.constant dense<0x7F800000> : vector<128xf32>
      %reduce_min3A_321 = vector.multi_reduction <minimumf>, %select_n3A_319, %reduce_min3A_320 [1] : vector<128x264xf32> to vector<128xf32>
      %broadcast_in_dim3A_322 = vector.shape_cast %reduce_min3A_321 : vector<128xf32> to vector<128x1xf32>
      %eq3A_323 = vector.broadcast %broadcast_in_dim3A_322 : vector<128x1xf32> to vector<128x264xf32>
      %eq3A_324 = arith.cmpf oeq, %concatenate3A_152, %eq3A_323 : vector<128x264xf32>
      %and3A_325 = arith.andi %eq3A_316, %eq3A_324 : vector<128x264xi1>
      %jit3A_326 = arith.constant -1.000000e+00 : f32
      %broadcast_in_dim3A_327 = vector.broadcast %jit3A_326 : f32 to vector<128x264xf32>
      %select_n3A_328 = arith.select %and3A_325, %concatenate3A_153, %broadcast_in_dim3A_327 : vector<128x264xi1>, vector<128x264xf32>
      %reduce_max3A_329 = arith.constant dense<0xFF800000> : vector<128xf32>
      %reduce_max3A_330 = vector.multi_reduction <maximumf>, %select_n3A_328, %reduce_max3A_329 [1] : vector<128x264xf32> to vector<128xf32>
      %broadcast_in_dim3A_331 = vector.shape_cast %reduce_max3A_330 : vector<128xf32> to vector<128x1xf32>
      %jit3A_332 = arith.constant 1.000000e+10 : f32
      %broadcast_in_dim3A_333 = vector.broadcast %jit3A_332 : f32 to vector<128x264xf32>
      %select_n3A_334 = arith.select %and3A_325, %broadcast_in_dim3A_333, %select_n3A_311 : vector<128x264xi1>, vector<128x264xf32>
      %concatenate3A_335 = tpu.concatenate %broadcast_in_dim3A_155, %broadcast_in_dim3A_176, %broadcast_in_dim3A_199, %broadcast_in_dim3A_222, %broadcast_in_dim3A_245, %broadcast_in_dim3A_268, %broadcast_in_dim3A_291, %broadcast_in_dim3A_314 in 1 : vector<128x1xf32>, vector<128x1xf32>, vector<128x1xf32>, vector<128x1xf32>, vector<128x1xf32>, vector<128x1xf32>, vector<128x1xf32>, vector<128x1xf32> -> vector<128x8xf32>
      %concatenate3A_336 = tpu.concatenate %broadcast_in_dim3A_162, %broadcast_in_dim3A_184, %broadcast_in_dim3A_207, %broadcast_in_dim3A_230, %broadcast_in_dim3A_253, %broadcast_in_dim3A_276, %broadcast_in_dim3A_299, %broadcast_in_dim3A_322 in 1 : vector<128x1xf32>, vector<128x1xf32>, vector<128x1xf32>, vector<128x1xf32>, vector<128x1xf32>, vector<128x1xf32>, vector<128x1xf32>, vector<128x1xf32> -> vector<128x8xf32>
      %concatenate3A_337 = tpu.concatenate %broadcast_in_dim3A_170, %broadcast_in_dim3A_193, %broadcast_in_dim3A_216, %broadcast_in_dim3A_239, %broadcast_in_dim3A_262, %broadcast_in_dim3A_285, %broadcast_in_dim3A_308, %broadcast_in_dim3A_331 in 1 : vector<128x1xf32>, vector<128x1xf32>, vector<128x1xf32>, vector<128x1xf32>, vector<128x1xf32>, vector<128x1xf32>, vector<128x1xf32>, vector<128x1xf32> -> vector<128x8xf32>
      scf.yield %concatenate3A_335, %concatenate3A_336, %concatenate3A_337 : vector<128x8xf32>, vector<128x8xf32>, vector<128x8xf32>
    }
    %lt3A = arith.constant 5.000000e+09 : f32
    %lt3A_28 = vector.broadcast %lt3A : f32 to vector<128x8xf32>
    %lt3A_29 = arith.cmpf olt, %while3A_27#0, %lt3A_28 : vector<128x8xf32>
    %jit3A = arith.constant -1.000000e+00 : f32
    %broadcast_in_dim3A_30 = vector.broadcast %jit3A : f32 to vector<128x8xf32>
    %select_n3A = arith.select %lt3A_29, %while3A_27#1, %broadcast_in_dim3A_30 : vector<128x8xi1>, vector<128x8xf32>
    %convert_element_type3A_31 = arith.fptosi %select_n3A : vector<128x8xf32> to vector<128x8xi32>
    %swap3A = arith.constant 0 : index
    %swap3A_32 = arith.constant 0 : index
    %swap3A_33 = arith.constant 0 : index
    %swap3A_34 = vector.load %arg8[%swap3A, %swap3A_32, %swap3A_33] : memref<1x128x8xi32, #tpu.memory_space<vmem>>, vector<1x128x8xi32>
    %swap3A_35 = vector.shape_cast %swap3A_34 : vector<1x128x8xi32> to vector<128x8xi32>
    %swap3A_36 = vector.shape_cast %convert_element_type3A_31 : vector<128x8xi32> to vector<1x128x8xi32>
    tpu.vector_store %arg8[%swap3A, %swap3A_32, %swap3A_33], %swap3A_36 {strides = array<i32>} : memref<1x128x8xi32, #tpu.memory_space<vmem>>, vector<1x128x8xi32>,
    %jit3A_37 = arith.constant -1.000000e+00 : f32
    %broadcast_in_dim3A_38 = vector.broadcast %jit3A_37 : f32 to vector<128x8xf32>
    %select_n3A_39 = arith.select %lt3A_29, %while3A_27#0, %broadcast_in_dim3A_38 : vector<128x8xi1>, vector<128x8xf32>
    %swap3A_40 = arith.constant 0 : index
    %swap3A_41 = arith.constant 0 : index
    %swap3A_42 = arith.constant 0 : index
    %swap3A_43 = vector.load %arg9[%swap3A_40, %swap3A_41, %swap3A_42] : memref<1x128x8xf32, #tpu.memory_space<vmem>>, vector<1x128x8xf32>
    %swap3A_44 = vector.shape_cast %swap3A_43 : vector<1x128x8xf32> to vector<128x8xf32>
    %swap3A_45 = vector.shape_cast %select_n3A_39 : vector<128x8xf32> to vector<1x128x8xf32>
    tpu.vector_store %arg9[%swap3A_40, %swap3A_41, %swap3A_42], %swap3A_45 {strides = array<i32>} : memref<1x128x8xf32, #tpu.memory_space<vmem>>, vector<1x128x8xf32>,
    %jit3A_46 = arith.constant -1.000000e+00 : f32
    %broadcast_in_dim3A_47 = vector.broadcast %jit3A_46 : f32 to vector<128x8xf32>
    %select_n3A_48 = arith.select %lt3A_29, %while3A_27#2, %broadcast_in_dim3A_47 : vector<128x8xi1>, vector<128x8xf32>
    %swap3A_49 = arith.constant 0 : index
    %swap3A_50 = arith.constant 0 : index
    %swap3A_51 = arith.constant 0 : index
    %swap3A_52 = vector.load %arg10[%swap3A_49, %swap3A_50, %swap3A_51] : memref<1x128x8xf32, #tpu.memory_space<vmem>>, vector<1x128x8xf32>
    %swap3A_53 = vector.shape_cast %swap3A_52 : vector<1x128x8xf32> to vector<128x8xf32>
    %swap3A_54 = vector.shape_cast %select_n3A_48 : vector<128x8xf32> to vector<1x128x8xf32>
    tpu.vector_store %arg10[%swap3A_49, %swap3A_50, %swap3A_51], %swap3A_54 {strides = array<i32>} : memref<1x128x8xf32, #tpu.memory_space<vmem>>, vector<1x128x8xf32>,
    return
  }
  func.func @transform_0(%arg0: i32, %arg1: memref<128xf32, #tpu.memory_space<smem>>, %arg2: memref<128xi32, #tpu.memory_space<smem>>, %arg3: memref<128xi32, #tpu.memory_space<smem>>) -> (i32, i32) {
    %c0_i32 = arith.constant 0 : i32
    %c0_i32_0 = arith.constant 0 : i32
    %c0_i32_1 = arith.constant 0 : i32
    return %c0_i32, %c0_i32_0 : i32, i32
  }
  func.func @transform_1(%arg0: i32, %arg1: memref<128xf32, #tpu.memory_space<smem>>, %arg2: memref<128xi32, #tpu.memory_space<smem>>, %arg3: memref<128xi32, #tpu.memory_space<smem>>) -> (i32, i32) {
    %c0_i32 = arith.constant 0 : i32
    %c0_i32_0 = arith.constant 0 : i32
    %c0_i32_1 = arith.constant 0 : i32
    return %c0_i32, %c0_i32_0 : i32, i32
  }
  func.func @transform_2(%arg0: i32, %arg1: memref<128xf32, #tpu.memory_space<smem>>, %arg2: memref<128xi32, #tpu.memory_space<smem>>, %arg3: memref<128xi32, #tpu.memory_space<smem>>) -> (i32, i32) {
    %c0_i32 = arith.constant 0 : i32
    %c0_i32_0 = arith.constant 0 : i32
    %c0_i32_1 = arith.constant 0 : i32
    return %c0_i32, %c0_i32_0 : i32, i32
  }
  func.func @transform_3(%arg0: i32, %arg1: memref<128xf32, #tpu.memory_space<smem>>, %arg2: memref<128xi32, #tpu.memory_space<smem>>, %arg3: memref<128xi32, #tpu.memory_space<smem>>) -> (i32, i32) {
    %c0_i32 = arith.constant 0 : i32
    %c0_i32_0 = arith.constant 0 : i32
    %c0_i32_1 = arith.constant 0 : i32
    return %c0_i32, %c0_i32_0 : i32, i32
  }
  func.func @transform_4(%arg0: i32, %arg1: memref<128xf32, #tpu.memory_space<smem>>, %arg2: memref<128xi32, #tpu.memory_space<smem>>, %arg3: memref<128xi32, #tpu.memory_space<smem>>) -> (i32, i32, i32) {
    %c0_i32 = arith.constant 0 : i32
    %c0_i32_0 = arith.constant 0 : i32
    %c0_i32_1 = arith.constant 0 : i32
    return %arg0, %c0_i32, %c0_i32_0 : i32, i32, i32
  }
  func.func @transform_5(%arg0: i32, %arg1: memref<128xf32, #tpu.memory_space<smem>>, %arg2: memref<128xi32, #tpu.memory_space<smem>>, %arg3: memref<128xi32, #tpu.memory_space<smem>>) -> (i32, i32, i32) {
    %c0_i32 = arith.constant 0 : i32
    %c0_i32_0 = arith.constant 0 : i32
    %c0_i32_1 = arith.constant 0 : i32
    return %arg0, %c0_i32, %c0_i32_0 : i32, i32, i32
  }
  func.func @transform_6(%arg0: i32, %arg1: memref<128xf32, #tpu.memory_space<smem>>, %arg2: memref<128xi32, #tpu.memory_space<smem>>, %arg3: memref<128xi32, #tpu.memory_space<smem>>) -> (i32, i32, i32) {
    %c0_i32 = arith.constant 0 : i32
    %c0_i32_0 = arith.constant 0 : i32
    %c0_i32_1 = arith.constant 0 : i32
    return %arg0, %c0_i32, %c0_i32_0 : i32, i32, i32
  }
}

</mosaic_0001>

<sc_bundles>
// kernel: gather_offload_async_start.1
scs
__scs_entry_jumppad:
0x0: {  	(pc) =	sbr.rel $0x88, $3  }
0x1: {  	(tag) =	ssettag $0x0;
	lr =	simm.s32 $0x1  }
0x2: {  	[smem:$0x3F9E] =	sst lr;
	_ =	strace $0xD0000000  }
0x3: {  	_ = 	snop  }
0x4: {  	_ = 	snop  }
0x5: {  	_ = 	snop  }
0x6: {  	_ = 	snop  }
0x7: {  	_ = 	snop  }
__scs_overlays_trampoline_lowered:
0x8: {  	[smem:$0x3FAD] =	sst s0  }
0x9: {  	[smem:$0x3FAE] =	sst s1  }
0xa: {  	[smem:$0x3FAF] =	sst s2  }
0xb: {  	[smem:$0x3FB0] =	sst s3  }
0xc: {  	[smem:$0x3FB1] =	sst s4  }
0xd: {  	[smem:$0x3FB2] =	sst s5  }
0xe: {  	[smem:$0x3FB3] =	sst s6  }
0xf: {  	[smem:$0x3FB4] =	sst s7  }
0x10: {  	[smem:$0x3FB5] =	sst s8  }
0x11: {  	[smem:$0x3FB6] =	sst s9;
	s0 =	simm.s32 @!p0 $0x0  }
0x12: {  	s1 =	sld [smem:$0x3F9C];
	s0 =	simm.s32 @p0 $0x1  }
0x13: {  	[smem:$0x3FB7] =	sst s0;
	s0 =	simm.s32 @!p1 $0x0  }
0x14: {  	s2 =	sld [smem:$0x3F9B];
	s0 =	simm.s32 @p1 $0x1  }
0x15: {  	[smem:$0x3FB8] =	sst s0;
	s0 =	simm.s32 @!p2 $0x0  }
0x16: {  	s3 =	sld [smem:$0x3FDB];
	s0 =	simm.s32 @p2 $0x1  }
0x17: {  	s4 =	simm.s32 $0x1BF5;
	[smem:$0x3FBA] =	sst s0  }
0x18: {  	s0 =	sld [smem:$0x3F9D];
	_ =	swait.ge [sflag:s4], $0x0  }
0x19: {  	s7 =	sld [smem:$0x3F9E]  }
0x1a: {  	s8 =	sadd.s32 $0xFFFFE003, lr  }
0x1b: {  	s9 =	sadd.s32 $0xFFFFFEF7, lr;
	s5 =	simm.s32 $0xFFFFFFFF;
	p2 =	slt.u32 s8, $0xFFFFF086  }
0x1c: {  	p1 =	slt.u32 s9, $0xF7A;
	s5 =	simm.s32 @!p2 $0x0  }
0x1d: {  	s5 =	simm.s32 @p1 $0x1;
	p0 =	seq.s32 s7, s2  }
0x1e: {  	s7 =	smul.u32 @!p0 $0xF7A, s2;
	p2 =	seq.s32 @!p0 s5, $0x0  }
0x1f: {  	s9 =	smul.u32 $0xF7A, s1;
	s8 =	simm.s32 @!p0 $0x1BF5;
	p2 =	por !p2, p0  }
0x20: {  	[sflag:s8] =	ssyncset.s32 @!p0 $0xFFFFF086;
	s6 =	sadd.s32 @!p0 s3, s7;
	s7 =	simm.s32 @!p0 $0x108  }
0x21: {  	s3 =	sadd.s32 s3, s9;
	s6 =	sadd.s32 @!p0 $0x88, s6;
	s7 =	simm.s32 @p2 $0x1082  }
0x22: {  	[simem:s7], [sflag:s8] =	dma.local @!p0 [hbm:s6], $0xF7A  }
0x23: {  	s9 =	sor.u32 $0xD0000000, s2;
	s6 =	simm.s32 $0x108;
	_ =	swait.ge @!p0 [sflag:s8], $0x0  }
0x24: {  	s3 =	sadd.s32 $0x88, s3;
	s6 =	simm.s32 @!p1 $0x1082;
	[sflag:s4] =	ssyncset.s32 $0xFFFFF086  }
0x25: {  	[simem:s6], [sflag:s4] =	dma.local [hbm:s3], $0xF7A  }
0x26: {  	[smem:$0x3F9E] =	sst s1;
	(tag) =	ssettag s2;
	_ =	strace s9  }
0x27: {  	s1 =	sld [smem:$0x3FAE]  }
0x28: {  	s2 =	sld [smem:$0x3FAF]  }
0x29: {  	s4 =	sld [smem:$0x3FB1]  }
0x2a: {  	p0 =	seq.s32 s5, $0x0;
	s5 =	sld [smem:$0x3FB2]  }
0x2b: {  	s6 =	sld [smem:$0x3FB3]  }
0x2c: {  	s7 =	sld [smem:$0x3FB4]  }
0x2d: {  	s3 =	simm.s32 $0x108;
	s8 =	sld [smem:$0x3FB5]  }
0x2e: {  	s3 =	simm.s32 @!p0 $0x1082;
	s9 =	sld [smem:$0x3FB6]  }
0x2f: {  	lr =	sadd.s32 s0, s3;
	s0 =	sld [smem:$0x3FAD]  }
0x30: {  	s3 =	sld [smem:$0x3FB0]  }
0x31: {  	[smem:$0x3FB9] =	sst s10  }
0x32: {  	s10 =	sld [smem:$0x3FB7];
	_ =	sdelay $0x3  }
0x33: {  	p0 =	seq.s32 s10, $0x1;
	s10 =	sld [smem:$0x3FB9];
	_ =	sdelay $0x3  }
0x34: {  	[smem:$0x3FB9] =	sst s10  }
0x35: {  	s10 =	sld [smem:$0x3FB8];
	_ =	sdelay $0x3  }
0x36: {  	p1 =	seq.s32 s10, $0x1;
	s10 =	sld [smem:$0x3FB9];
	_ =	sdelay $0x3  }
0x37: {  	[smem:$0x3FB9] =	sst s10  }
0x38: {  	s10 =	sld [smem:$0x3FBA]  }
0x39: {  	_ = 	snop;
	(pc) =	sbr.ind lr, $3  }
0x3a: {  	_ = 	snop  }
0x3b: {  	_ = 	snop  }
0x3c: {  	p2 =	seq.s32 s10, $0x1;
	s10 =	sld [smem:$0x3FB9]  }
0x3d: {  	_ =	shalt  }
0x3e: {  	_ =	shalt  }
0x3f: {  	_ =	shalt  }
0x40: {  	_ =	shalt  }
0x41: {  	_ =	shalt  }
0x42: {  	_ =	shalt  }
0x43: {  	_ =	shalt  }
0x44: {  	_ =	shalt  }
0x45: {  	_ =	shalt  }
0x46: {  	_ =	shalt  }
0x47: {  	_ =	shalt  }
0x48: {  	_ =	shalt  }
0x49: {  	_ =	shalt  }
0x4a: {  	_ =	shalt  }
0x4b: {  	_ =	shalt  }
0x4c: {  	_ =	shalt  }
0x4d: {  	_ =	shalt  }
0x4e: {  	_ =	shalt  }
0x4f: {  	_ =	shalt  }
0x50: {  	_ =	shalt  }
0x51: {  	_ =	shalt  }
0x52: {  	_ =	shalt  }
0x53: {  	_ =	shalt  }
0x54: {  	_ =	shalt  }
0x55: {  	_ =	shalt  }
0x56: {  	_ =	shalt  }
0x57: {  	_ =	shalt  }
0x58: {  	_ =	shalt  }
0x59: {  	_ =	shalt  }
0x5a: {  	_ =	shalt  }
0x5b: {  	_ =	shalt  }
0x5c: {  	_ =	shalt  }
0x5d: {  	_ =	shalt  }
0x5e: {  	_ =	shalt  }
0x5f: {  	_ =	shalt  }
0x60: {  	_ =	shalt  }
0x61: {  	_ =	shalt  }
0x62: {  	_ =	shalt  }
0x63: {  	_ =	shalt  }
0x64: {  	_ =	shalt  }
0x65: {  	_ =	shalt  }
0x66: {  	_ =	shalt  }
0x67: {  	_ =	shalt  }
0x68: {  	_ =	shalt  }
0x69: {  	_ =	shalt  }
0x6a: {  	_ =	shalt  }
0x6b: {  	_ =	shalt  }
0x6c: {  	_ =	shalt  }
0x6d: {  	_ =	shalt  }
0x6e: {  	_ =	shalt  }
0x6f: {  	_ =	shalt  }
0x70: {  	_ =	shalt  }
0x71: {  	_ =	shalt  }
0x72: {  	_ =	shalt  }
0x73: {  	_ =	shalt  }
0x74: {  	_ =	shalt  }
0x75: {  	_ =	shalt  }
0x76: {  	_ =	shalt  }
0x77: {  	_ =	shalt  }
0x78: {  	_ =	shalt  }
0x79: {  	_ =	shalt  }
0x7a: {  	_ =	shalt  }
0x7b: {  	_ =	shalt  }
0x7c: {  	_ =	shalt  }
0x7d: {  	_ =	shalt  }
0x7e: {  	_ =	shalt  }
0x7f: {  	_ =	shalt  }
0x80: {  	_ =	shalt  }
0x81: {  	_ =	shalt  }
0x82: {  	_ =	shalt  }
0x83: {  	_ =	shalt  }
0x84: {  	_ =	shalt  }
0x85: {  	_ =	shalt  }
0x86: {  	_ =	shalt  }
0x87: {  	_ =	shalt  }
.Lfunc_end0:
.L_simem_size_0:
called_computation.1_lowered:
.L_overlay_start_0:
0x88: {  	s2 =	sld [smem:$0x3FD9]  }
0x89: {  	s3 =	sld [smem:$0x3FFE];
	_ =	sdelay $0x1  }
0x8a: {  	s1 =	srdreg.scid  }
0x8b: {  	s0 =	sand.u32 $0x1, s1  }
0x8c: {  	s14 =	sshll.u32 s0, $0xA;
	s2 =	sadd.s32 s3, s2  }
0x8d: {  	s2 =	sadd.s32 s2, s14  }
0x8e: {  	[smem:$0x3FC5] =	sst s2  }
0x8f: {  	_ = 	snop  }
0x90: {  	s2 =	sld [smem:$0x3FD0];
	_ =	sdelay $0x2  }
0x91: {  	s15 =	simm.s32 $0xB;
	s4 =	simm.s32 $0x10  }
0x92: {  	[smem:s4], [sflag:s15] =	dma.local [hbm:s2], $0x1  }
0x93: {  	_ =	swait.eq [sflag:s15], $0x1  }
0x94: {  	[sflag:s15] =	ssyncset.done $0x0  }
0x95: {  	[sflag:s15] =	ssyncadd.s32 $0xFFFFFFFF  }
0x96: {  	s16 =	sld [smem:$0x11];
	(tm) =	ssettm $0x1  }
0x97: {  	s17 =	sld [smem:$0x3FFB];
	_ =	sdelay $0x3  }
0x98: {  	_ =	strace s17  }
0x99: {  	s3 =	sld [smem:$0x3FFC];
	_ =	sdelay $0x3  }
0x9a: {  	_ =	strace s3  }
0x9b: {  	s3 =	sld [smem:$0x3FFD];
	_ =	sdelay $0x3  }
0x9c: {  	_ =	strace s3  }
0x9d: {  	_ =	strace $0x8FFFFFFF  }
0x9e: {  	s18 =	sld [smem:$0x3FDB];
	_ =	sdelay $0x1  }
0x9f: {  	s19 =	simm.s32 $_scs_section_size  }
0xa0: {  	s5 =	simm.s32 $_size__tile_overlayer_lowered;
	s6 =	simm.s32 $_tile_overlayer_lowered  }
0xa1: {  	s22 =	simm.s32 $0x1BFF;
	s21 =	sshll.u32 s6, $0x1;
	s3 =	sadd.s32 s19, s18  }
0xa2: {  	s7 =	simm.s32 $0x0;
	s20 =	sshll.u32 s5, $0x1;
	s5 =	sadd.s32 s21, s3  }
0xa3: {  	[timem:s7], [sflag:s22] =	dma.local [hbm:s5], s20  }
0xa4: {  	_ =	swait.ge [sflag:s22], s20  }
0xa5: {  	s4 =	ssub.s32 $0x0, s20;
	[sflag:s22] =	ssyncset.done $0x0  }
0xa6: {  	[sflag:s22] =	ssyncadd.s32 s4;
	_ =	sdelay $0x1  }
0xa7: {  	s23 =	simm.s32 $0x1B8B  }
0xa8: {  	_ =	swait.ge [sflag:s23], $0x1  }
0xa9: {  	[sflag:s23] =	ssyncset.done $0x0  }
0xaa: {  	s25 =	simm.s32 $0x1B8E;
	s24 =	sld [smem:$0x3FFE];
	[sflag:s23] =	ssyncadd.s32 $0xFFFFFFFF  }
0xab: {  	s26 =	simm.s32 $execute0_lowered;
	[smem:$0x3FD2] =	sst s25  }
0xac: {  	s5 =	sshll.u32 s26, $0x1;
	_ =	strace $0x80000046;
	[dreg:$0x1] =	wrdreg $0xFFFFFFFF  }
0xad: {  	s28 =	simm.s32 $_size_execute0_lowered;
	s3 =	sadd.s32 s3, s5;
	[dreg:$0x0] =	wrdreg $0x0  }
0xae: {  	s5 =	sshll.u32 s28, $0x1;
	[dreg:$0x2] =	wrdreg s3  }
0xaf: {  	[dreg:$0x3] =	wrdreg s5  }
0xb0: {  	[dreg:$0x4] =	wrdreg $0xC0  }
0xb1: {  	_ =	task [dreg:s7], $0x5FFFF  }
0xb2: {  	[dreg:$0x1] =	wrdreg $0xFFFFFFFF  }
0xb3: {  	[dreg:$0x0] =	wrdreg $0x60  }
0xb4: {  	[dreg:$0x2] =	wrdreg s16  }
0xb5: {  	[dreg:$0x3] =	wrdreg s24  }
0xb6: {  	[dreg:$0x4] =	wrdreg $0x9  }
0xb7: {  	_ =	task.clear_ibuf [dreg:s7], $0x5FFFF;
	_ =	strace $0x90000046  }
0xb8: {  	s29 =	simm.s32 $0x9;
	_ =	strace $0x80000048  }
0xb9: {  	_ =	swait.ge [sflag:s29], $0x1  }
0xba: {  	[sflag:s29] =	ssyncadd.s32 $0xFFFFFFFF  }
0xbb: {  	_ =	strace $0x90000048  }
0xbc: {  	_ =	sfence  }
0xbd: {  	s30 =	sld [smem:$0x0];
	_ =	sdelay $0x2  }
0xbe: {  	s31 =	sshll.u32 s1, $0xD;
	s1 =	sshrl.u32 s1, $0x2  }
0xbf: {  	s3 =	sand.u32 $0x4000, s31;
	s1 =	sadd.s32 s1, s30  }
0xc0: {  	s0 =	sor.u32 s3, s0;
	s1 =	sshll.u32 s1, $0x11  }
0xc1: {  	s0 =	sor.u32 s1, s0  }
0xc2: {  	s0 =	sadd.s32 $0x8F2B, s0  }
0xc3: {  	[sflag:s0] =	ssyncadd.remote.s32 $0x1  }
0xc4: {  	_ =	sfence.sel $0xFFFF  }
0xc5: {  	[dreg:$0x0] =	wrdreg $0xFFFFFFFF;
	(pc) =	sbr.abs _section_cstart, $3  }
0xc6: {  	[dreg:$0x1] =	wrdreg $0xFFFFFFFF  }
0xc7: {  	_ =	task.clear_ibuf [dreg:s7], $0x2FFFF;
	_ =	strace $0x9FFFFFFF  }
0xc8: {  	(tm) =	ssettm $0x7FFFFFFF  }
0xc9: {  	_ =	shalt  }
tec
execute0_lowered:
.L_overlay_start_1:
0x0: {  	(tag) =	ssettag $0x1  }
0x1: {  	s2 =	rddreg [dreg:$0x0]  }
0x2: {  	s8 =	rddreg [dreg:$0x1]  }
0x3: {  	s0 =	rddreg [dreg:$0x2];
	s1 =	stileid.u32  }
0x4: {  	s3 =	srdreg.scid;
	_ =	strace $0x80000047;
	s4 =	simm.s32 $0x1  }
0x5: {  	s7 =	simm.s32 $0x1;
	s9 =	simm.s32 $0x1;
	s10 =	simm.s32 $0x3  }
0x6: {  	s13 =	simm.s32 $0x0;
	s5 =	sand.u32 $0x1, s3;
	s6 =	sshll.u32 s1, $0x1  }
0x7: {  	s12 =	simm.s32 $0x0;
	s3 =	sadd.s32 $0x600, s8;
	s5 =	sor.u32 s6, s5  }
.Ltmp0:
0x8: {  	[sflag:s4] =	ssyncpa.u1 $0x0;
	p0 =	slt.u32 s5, $0x13;
	(pc) =	sbr.rel .LBB2_1-.Ltmp0, $4  }
0x9: {  	s6 =	simm.s32 $0x2;
	s7 =	simm.s32 @!p0 $0x0;
	p0 =	sne.s32 s5, $0x12  }
0xa: {  	[sflag:s6] =	ssyncpa.u1 $0x0;
	s5 =	smul.u32 $0x190, s5;
	s9 =	simm.s32 @!p0 $0x0  }
0xb: {  	s8 =	sadd.s32 $0x1000, s8;
	[sflag:s10] =	ssyncpa.u1 $0x0;
	s7 =	sadd.s32 s9, s7  }
0xc: {  	vm0 =	vmmov $0xffff;
	s10 =	simm.s32 $0x0;
	s11 =	smov.u32 s5;
	s9 =	sadd.s32 $0x1, s7  }
.LBB2_4:
0xd: {  	v2 =	vnsel vm1, $0x0, v2  }
0xe: {  	vm1 =	vgt.s32 v0, $0x0;
	v2 =	vmin.u32 v2, $0x4E1F  }
0xf: {  	v0 =	vnsel vm1, $0x0, v0  }
0x10: {  	v0 =	vmin.u32 v0, $0x4E1F  }
0x11: {  	[tilespmem:s18], [sflag:$0x1] =	stream.indirect_vreg.gather [hbm4b:s2+s10], $0x1, v1, vm0, $0x4038;
	[tilespmem:$0x640] =	vst v63  }
0x12: {  	(ifvalue) =	ssetifvalue $0x7FFFFFFF  }
0x13: {  	[tilespmem:s15], [sflag:$0x1] =	stream.indirect_vreg.gather [hbm4b:s2+s10], $0x1, v2, vm0, $0x4038;
	[tilespmem:$0x640] =	vst v63  }
0x14: {  	s29 =	sadd.s32 $0x10, s15;
	(ifvalue) =	ssetifvalue $0x7FFFFFFF  }
0x15: {  	[tilespmem:s29], [sflag:$0x1] =	stream.indirect_vreg.gather [hbm4b:s2+s10], $0x1, v0, vm0, $0x4038;
	[tilespmem:$0x640] =	vst v63  }
0x16: {  	_ =	swait.ge [sflag:s4], $0x190  }
0x17: {  	s30 =	sshrl.u32 s13, $0x3;
	[sflag:s4] =	ssyncset.done $0x0  }
0x18: {  	s31 =	sand.u32 $0x7, s13;
	s15 =	sadd.s32 s8, s30;
	[sflag:s4] =	ssyncadd.s32 $0xFFFFFE70  }
0x19: {  	[hbm4b:s15+s31] =	stream.linear.scatter [tilespmem:s14], [sflag:$0x3], $0x190, $0x38;
	[tilespmem:$0x640] =	vst v63  }
.LBB2_5:
0x1a: {  	s15 =	sadd.s32 $0x3200, s11  }
0x1b: {  	p1 =	sgt.s32 s15, $0x4E1F  }
0x1c: {  	s15 =	smov.u32 @p1 s5;
	p1 =	sne.s32 s12, s9  }
.Ltmp1:
0x1d: {  	p0 =	slt.u32 s12, $0x2;
	(pc) =	sbr.rel @!p1 .LBB2_6-.Ltmp1, $4  }
0x1e: {  	s14 =	simm.s32 @!p0 $0x3  }
0x1f: {  	_ =	swait.ge @!p0 [sflag:s14], $0x190  }
0x20: {  	s16 =	sadd.s32 $0x1, s12;
	s13 =	smov.u32 s11;
	[sflag:s14] =	ssyncset.done @!p0 $0x0  }
0x21: {  	s12 =	smov.u32 s16;
	s11 =	smov.u32 s15;
	[sflag:s14] =	ssyncadd.s32 @!p0 $0xFFFFFE70  }
.LBB2_1:
0x22: {  	p0 =	sge.u32 s12, s7  }
0x23: {  	s14 =	sxor.u32 @!p0 $0x1, s12  }
0x24: {  	s14 =	smul.u32 @!p0 $0x640, s14  }
0x25: {  	s31 =	sadd.s32 $0xFFFFFFFF, s12;
	s15 =	sshrl.u32 @!p0 s11, $0x3  }
0x26: {  	s16 =	sand.u32 @!p0 $0x7, s11;
	s15 =	sadd.s32 @!p0 s3, s15;
	s14 =	sshra.s32 @!p0 s14, $0x2  }
0x27: {  	[tilespmem:s14], [sflag:$0x2] =	stream.linear.gather @!p0 [hbm4b:s15+s16], $0x190, $0x38;
	[tilespmem:$0x640] =	vst v63  }
0x28: {  	p0 =	sge.u32 s31, s7  }
.Ltmp2:
0x29: {  	_ = 	snop;
	(pc) =	sbr.rel @p0 .LBB2_5-.Ltmp2, $1  }
0x2a: {  	_ =	sdelay $0x3  }
0x2b: {  	s14 =	sand.u32 $0x1, s12  }
0x2c: {  	_ =	swait.ge [sflag:s6], $0x190;
	p0 =	seq.s32 s14, $0x1;
	s14 =	simm.s32 $0x190  }
0x2d: {  	[sflag:s6] =	ssyncset.done $0x0;
	s14 =	simm.s32 @!p0 $0x0  }
0x2e: {  	[sflag:s6] =	ssyncadd.s32 $0xFFFFFE70;
	(ifvalue) =	ssetifvalue $0x7FFFFFFF;
	v0 =	vld.msk [tilespmem:s14+$0x0 ss:$0x1], $0xffff;
	_ =	sdelay $0x4  }
0x2f: {  	s15 =	sadd.s32 $0x10, s14;
	vm1 =	vgt.s32 v0, $0x0  }
0x30: {  	v2 =	vld.msk [tilespmem:s15+$0x0 ss:$0x1], $0xffff;
	v1 =	vnsel vm1, $0x0, v0  }
0x31: {  	v1 =	vmin.u32 v1, $0x4E1F;
	_ =	sdelay $0x2  }
0x32: {  	s17 =	simm.s32 $0x20;
	s14 =	sadd.s32 $0x320, s14;
	s16 =	sadd.s32 $0x10, s15  }
0x33: {  	s15 =	sadd.s32 $0x10, s14;
	s18 =	smov.u32 s14;
	v0 =	vld.msk [tilespmem:s16+$0x0 ss:$0x1], $0xffff;
	vm1 =	vgt.s32 v2, $0x0;
	(ifvalue) =	ssetifvalue $0x7FFFFFFF  }
.LBB2_3:
0x34: {  	[tilespmem:s18], [sflag:$0x1] =	stream.indirect_vreg.gather [hbm4b:s2+s10], $0x1, v1, vm0, $0x4038;
	[tilespmem:$0x640] =	vst v63  }
0x35: {  	s17 =	sadd.s32 $0x10, s17  }
0x36: {  	v2 =	vnsel vm1, $0x0, v2;
	p0 =	slt.u32 s17, $0x180  }
.Ltmp3:
0x37: {  	s18 =	smov.u32 s15;
	v1 =	vmin.u32 v2, $0x4E1F;
	(pc) =	sbr.rel @p0 .LBB2_3-.Ltmp3, $3  }
0x38: {  	_ =	sdelay $0x1  }
0x39: {  	s16 =	sadd.s32 $0x10, s16  }
0x3a: {  	vm1 =	vgt.s32 v0, $0x0;
	s15 =	sadd.s32 $0x10, s15;
	v2 =	vmov v0;
	(ifvalue) =	ssetifvalue $0x7FFFFFFF;
	v0 =	vld.msk [tilespmem:s16+$0x0 ss:$0x1], $0xffff  }
.Ltmp4:
0x3b: {  	_ = 	snop;
	(pc) =	sbr.rel .LBB2_4-.Ltmp4, $1  }
0x3c: {  	_ =	sdelay $0x3  }
.LBB2_6:
0x3d: {  	_ =	sfence.sel $0x180000  }
0x3e: {  	s2 =	simm.s32 $0x2;
	[bflag:$0x0] =	sbarrier.arrive $0xFFFF  }
0x3f: {  	s30 =	simm.s32 $0x3;
	[sflag:s2] =	ssyncpa.u1 $0x1  }
0x40: {  	s31 =	simm.s32 $0x1;
	[sflag:s30] =	ssyncpa.u1 $0x1  }
0x41: {  	[sflag:s31] =	ssyncpa.u1 $0x1  }
0x42: {  	p0 =	sne.s32 s1, $0x0;
	_ =	strace $0x90000047  }
0x43: {  	s0 =	sadd.s32 @!p0 $0x100000, s0;
	[bflag:$0x2] =	sbarrier.arrive $0xFFFF  }
0x44: {  	[sflag:s0] =	ssyncadd.tile.s32 @!p0 $0x1;
	_ =	shalt  }
.Lfunc_end2:
_tile_overlayer_lowered:
.L_overlay_start_2:
0x45: {  	(tag) =	ssettag $0x2  }
0x46: {  	s0 =	rddreg [dreg:$0x0];
	s2 =	stileid.u32  }
0x47: {  	s1 =	rddreg [dreg:$0x1];
	p0 =	sne.s32 s2, $0x0  }
0x48: {  	s3 =	rddreg [dreg:$0x2];
	[bflag:$0x3] =	sbarrier.arrive $0xFFFF;
	s2 =	simm.s32 @!p0 $0x1C01  }
0x49: {  	[timem:s3], [sflag:s2] =	dma.local @!p0 [hbm:s0], s1  }
0x4a: {  	s0 =	simm.s32 @!p0 $0x1  }
0x4b: {  	_ =	swait.ge @!p0 [sflag:s0], s1  }
0x4c: {  	s1 =	ssub.s32 @!p0 $0x0, s1;
	[sflag:s0] =	ssyncset.done @!p0 $0x0  }
0x4d: {  	[sflag:s0] =	ssyncadd.s32 @!p0 s1  }
0x4e: {  	[bflag:$0x3] =	sbarrier.arrive $0xFFFF  }
0x4f: {  	_ =	shalt  }

// kernel: gather_offload_async_start.2
scs
__scs_entry_jumppad:
0x0: {  	(pc) =	sbr.rel $0x88, $3  }
0x1: {  	(tag) =	ssettag $0x0;
	lr =	simm.s32 $0x1  }
0x2: {  	[smem:$0x3F9E] =	sst lr;
	_ =	strace $0xD0000000  }
0x3: {  	_ = 	snop  }
0x4: {  	_ = 	snop  }
0x5: {  	_ = 	snop  }
0x6: {  	_ = 	snop  }
0x7: {  	_ = 	snop  }
__scs_overlays_trampoline_lowered:
0x8: {  	[smem:$0x3FAD] =	sst s0  }
0x9: {  	[smem:$0x3FAE] =	sst s1  }
0xa: {  	[smem:$0x3FAF] =	sst s2  }
0xb: {  	[smem:$0x3FB0] =	sst s3  }
0xc: {  	[smem:$0x3FB1] =	sst s4  }
0xd: {  	[smem:$0x3FB2] =	sst s5  }
0xe: {  	[smem:$0x3FB3] =	sst s6  }
0xf: {  	[smem:$0x3FB4] =	sst s7  }
0x10: {  	[smem:$0x3FB5] =	sst s8  }
0x11: {  	[smem:$0x3FB6] =	sst s9;
	s0 =	simm.s32 @!p0 $0x0  }
0x12: {  	s1 =	sld [smem:$0x3F9C];
	s0 =	simm.s32 @p0 $0x1  }
0x13: {  	[smem:$0x3FB7] =	sst s0;
	s0 =	simm.s32 @!p1 $0x0  }
0x14: {  	s2 =	sld [smem:$0x3F9B];
	s0 =	simm.s32 @p1 $0x1  }
0x15: {  	[smem:$0x3FB8] =	sst s0;
	s0 =	simm.s32 @!p2 $0x0  }
0x16: {  	s3 =	sld [smem:$0x3FDB];
	s0 =	simm.s32 @p2 $0x1  }
0x17: {  	s4 =	simm.s32 $0x1BF5;
	[smem:$0x3FBA] =	sst s0  }
0x18: {  	s0 =	sld [smem:$0x3F9D];
	_ =	swait.ge [sflag:s4], $0x0  }
0x19: {  	s7 =	sld [smem:$0x3F9E]  }
0x1a: {  	s8 =	sadd.s32 $0xFFFFE003, lr  }
0x1b: {  	s9 =	sadd.s32 $0xFFFFFEF7, lr;
	s5 =	simm.s32 $0xFFFFFFFF;
	p2 =	slt.u32 s8, $0xFFFFF086  }
0x1c: {  	p1 =	slt.u32 s9, $0xF7A;
	s5 =	simm.s32 @!p2 $0x0  }
0x1d: {  	s5 =	simm.s32 @p1 $0x1;
	p0 =	seq.s32 s7, s2  }
0x1e: {  	s7 =	smul.u32 @!p0 $0xF7A, s2;
	p2 =	seq.s32 @!p0 s5, $0x0  }
0x1f: {  	s9 =	smul.u32 $0xF7A, s1;
	s8 =	simm.s32 @!p0 $0x1BF5;
	p2 =	por !p2, p0  }
0x20: {  	[sflag:s8] =	ssyncset.s32 @!p0 $0xFFFFF086;
	s6 =	sadd.s32 @!p0 s3, s7;
	s7 =	simm.s32 @!p0 $0x108  }
0x21: {  	s3 =	sadd.s32 s3, s9;
	s6 =	sadd.s32 @!p0 $0x88, s6;
	s7 =	simm.s32 @p2 $0x1082  }
0x22: {  	[simem:s7], [sflag:s8] =	dma.local @!p0 [hbm:s6], $0xF7A  }
0x23: {  	s9 =	sor.u32 $0xD0000000, s2;
	s6 =	simm.s32 $0x108;
	_ =	swait.ge @!p0 [sflag:s8], $0x0  }
0x24: {  	s3 =	sadd.s32 $0x88, s3;
	s6 =	simm.s32 @!p1 $0x1082;
	[sflag:s4] =	ssyncset.s32 $0xFFFFF086  }
0x25: {  	[simem:s6], [sflag:s4] =	dma.local [hbm:s3], $0xF7A  }
0x26: {  	[smem:$0x3F9E] =	sst s1;
	(tag) =	ssettag s2;
	_ =	strace s9  }
0x27: {  	s1 =	sld [smem:$0x3FAE]  }
0x28: {  	s2 =	sld [smem:$0x3FAF]  }
0x29: {  	s4 =	sld [smem:$0x3FB1]  }
0x2a: {  	p0 =	seq.s32 s5, $0x0;
	s5 =	sld [smem:$0x3FB2]  }
0x2b: {  	s6 =	sld [smem:$0x3FB3]  }
0x2c: {  	s7 =	sld [smem:$0x3FB4]  }
0x2d: {  	s3 =	simm.s32 $0x108;
	s8 =	sld [smem:$0x3FB5]  }
0x2e: {  	s3 =	simm.s32 @!p0 $0x1082;
	s9 =	sld [smem:$0x3FB6]  }
0x2f: {  	lr =	sadd.s32 s0, s3;
	s0 =	sld [smem:$0x3FAD]  }
0x30: {  	s3 =	sld [smem:$0x3FB0]  }
0x31: {  	[smem:$0x3FB9] =	sst s10  }
0x32: {  	s10 =	sld [smem:$0x3FB7];
	_ =	sdelay $0x3  }
0x33: {  	p0 =	seq.s32 s10, $0x1;
	s10 =	sld [smem:$0x3FB9];
	_ =	sdelay $0x3  }
0x34: {  	[smem:$0x3FB9] =	sst s10  }
0x35: {  	s10 =	sld [smem:$0x3FB8];
	_ =	sdelay $0x3  }
0x36: {  	p1 =	seq.s32 s10, $0x1;
	s10 =	sld [smem:$0x3FB9];
	_ =	sdelay $0x3  }
0x37: {  	[smem:$0x3FB9] =	sst s10  }
0x38: {  	s10 =	sld [smem:$0x3FBA]  }
0x39: {  	_ = 	snop;
	(pc) =	sbr.ind lr, $3  }
0x3a: {  	_ = 	snop  }
0x3b: {  	_ = 	snop  }
0x3c: {  	p2 =	seq.s32 s10, $0x1;
	s10 =	sld [smem:$0x3FB9]  }
0x3d: {  	_ =	shalt  }
0x3e: {  	_ =	shalt  }
0x3f: {  	_ =	shalt  }
0x40: {  	_ =	shalt  }
0x41: {  	_ =	shalt  }
0x42: {  	_ =	shalt  }
0x43: {  	_ =	shalt  }
0x44: {  	_ =	shalt  }
0x45: {  	_ =	shalt  }
0x46: {  	_ =	shalt  }
0x47: {  	_ =	shalt  }
0x48: {  	_ =	shalt  }
0x49: {  	_ =	shalt  }
0x4a: {  	_ =	shalt  }
0x4b: {  	_ =	shalt  }
0x4c: {  	_ =	shalt  }
0x4d: {  	_ =	shalt  }
0x4e: {  	_ =	shalt  }
0x4f: {  	_ =	shalt  }
0x50: {  	_ =	shalt  }
0x51: {  	_ =	shalt  }
0x52: {  	_ =	shalt  }
0x53: {  	_ =	shalt  }
0x54: {  	_ =	shalt  }
0x55: {  	_ =	shalt  }
0x56: {  	_ =	shalt  }
0x57: {  	_ =	shalt  }
0x58: {  	_ =	shalt  }
0x59: {  	_ =	shalt  }
0x5a: {  	_ =	shalt  }
0x5b: {  	_ =	shalt  }
0x5c: {  	_ =	shalt  }
0x5d: {  	_ =	shalt  }
0x5e: {  	_ =	shalt  }
0x5f: {  	_ =	shalt  }
0x60: {  	_ =	shalt  }
0x61: {  	_ =	shalt  }
0x62: {  	_ =	shalt  }
0x63: {  	_ =	shalt  }
0x64: {  	_ =	shalt  }
0x65: {  	_ =	shalt  }
0x66: {  	_ =	shalt  }
0x67: {  	_ =	shalt  }
0x68: {  	_ =	shalt  }
0x69: {  	_ =	shalt  }
0x6a: {  	_ =	shalt  }
0x6b: {  	_ =	shalt  }
0x6c: {  	_ =	shalt  }
0x6d: {  	_ =	shalt  }
0x6e: {  	_ =	shalt  }
0x6f: {  	_ =	shalt  }
0x70: {  	_ =	shalt  }
0x71: {  	_ =	shalt  }
0x72: {  	_ =	shalt  }
0x73: {  	_ =	shalt  }
0x74: {  	_ =	shalt  }
0x75: {  	_ =	shalt  }
0x76: {  	_ =	shalt  }
0x77: {  	_ =	shalt  }
0x78: {  	_ =	shalt  }
0x79: {  	_ =	shalt  }
0x7a: {  	_ =	shalt  }
0x7b: {  	_ =	shalt  }
0x7c: {  	_ =	shalt  }
0x7d: {  	_ =	shalt  }
0x7e: {  	_ =	shalt  }
0x7f: {  	_ =	shalt  }
0x80: {  	_ =	shalt  }
0x81: {  	_ =	shalt  }
0x82: {  	_ =	shalt  }
0x83: {  	_ =	shalt  }
0x84: {  	_ =	shalt  }
0x85: {  	_ =	shalt  }
0x86: {  	_ =	shalt  }
0x87: {  	_ =	shalt  }
.Lfunc_end0:
.L_simem_size_0:
called_computation.2_lowered:
.L_overlay_start_0:
0x88: {  	s2 =	sld [smem:$0x3FD9]  }
0x89: {  	s3 =	sld [smem:$0x3FFE];
	_ =	sdelay $0x1  }
0x8a: {  	s1 =	srdreg.scid  }
0x8b: {  	s0 =	sand.u32 $0x1, s1  }
0x8c: {  	s15 =	sshll.u32 s0, $0xA;
	s2 =	sadd.s32 s3, s2  }
0x8d: {  	s2 =	sadd.s32 s2, s15  }
0x8e: {  	[smem:$0x3FC5] =	sst s2  }
0x8f: {  	_ = 	snop  }
0x90: {  	s2 =	sld [smem:$0x3FD0];
	_ =	sdelay $0x2  }
0x91: {  	s16 =	simm.s32 $0xB;
	s4 =	simm.s32 $0x10  }
0x92: {  	[smem:s4], [sflag:s16] =	dma.local [hbm:s2], $0x1  }
0x93: {  	_ =	swait.eq [sflag:s16], $0x1  }
0x94: {  	[sflag:s16] =	ssyncset.done $0x0  }
0x95: {  	[sflag:s16] =	ssyncadd.s32 $0xFFFFFFFF  }
0x96: {  	s17 =	sld [smem:$0x11];
	(tm) =	ssettm $0x1  }
0x97: {  	s18 =	sld [smem:$0x3FFB];
	_ =	sdelay $0x3  }
0x98: {  	_ =	strace s18  }
0x99: {  	s2 =	sld [smem:$0x3FFC];
	_ =	sdelay $0x3  }
0x9a: {  	_ =	strace s2  }
0x9b: {  	s2 =	sld [smem:$0x3FFD];
	_ =	sdelay $0x3  }
0x9c: {  	_ =	strace s2  }
0x9d: {  	_ =	strace $0x8FFFFFFF  }
0x9e: {  	s19 =	sld [smem:$0x3FDB];
	_ =	sdelay $0x1  }
0x9f: {  	s20 =	simm.s32 $_scs_section_size  }
0xa0: {  	s5 =	simm.s32 $_size__tile_overlayer_lowered;
	s6 =	simm.s32 $_tile_overlayer_lowered  }
0xa1: {  	s7 =	simm.s32 $0x1BFF;
	s21 =	sshll.u32 s6, $0x1;
	s4 =	sadd.s32 s20, s19  }
0xa2: {  	s22 =	simm.s32 $0x0;
	s5 =	sshll.u32 s5, $0x1;
	s6 =	sadd.s32 s21, s4  }
0xa3: {  	[timem:s22], [sflag:s7] =	dma.local [hbm:s6], s5  }
0xa4: {  	_ =	swait.ge [sflag:s7], s5  }
0xa5: {  	s5 =	ssub.s32 $0x0, s5;
	[sflag:s7] =	ssyncset.done $0x0  }
0xa6: {  	[sflag:s7] =	ssyncadd.s32 s5;
	_ =	sdelay $0x1  }
0xa7: {  	s23 =	simm.s32 $0x1B8B  }
0xa8: {  	_ =	swait.ge [sflag:s23], $0x1  }
0xa9: {  	[sflag:s23] =	ssyncset.done $0x0  }
0xaa: {  	[sflag:s23] =	ssyncadd.s32 $0xFFFFFFFF  }
0xab: {  	s5 =	sld [smem:$0x0]  }
0xac: {  	s6 =	sand.u32 $0xFFFFFFFE, s1  }
0xad: {  	p0 =	sne.s32 s1, s6  }
0xae: {  	s6 =	sshll.u32 @p0 s6, $0xE  }
0xaf: {  	s6 =	sadd.s32 @p0 $0x11B8D, s6;
	s7 =	sshll.u32 @p0 s5, $0x11  }
0xb0: {  	s6 =	sor.u32 @p0 s7, s6  }
0xb1: {  	[sflag:s6] =	ssyncadd.remote.s32 @p0 $0x1;
	_ =	sdelay $0x1  }
0xb2: {  	s6 =	simm.s32 @p0 $0x1B8D  }
0xb3: {  	_ =	swait.eq @p0 [sflag:s6], $0x1  }
0xb4: {  	[sflag:s6] =	ssyncadd.s32 @p0 $0xFFFFFFFF  }
0xb5: {  	s7 =	sshll.u32 @!p0 s1, $0xE  }
0xb6: {  	s7 =	sor.u32 @!p0 $0x4000, s7;
	s6 =	simm.s32 @!p0 $0x1B8D  }
0xb7: {  	s5 =	sshll.u32 @!p0 s5, $0x11;
	s7 =	sadd.s32 @!p0 $0x11B8D, s7;
	_ =	swait.eq @!p0 [sflag:s6], $0x1  }
0xb8: {  	s5 =	sor.u32 @!p0 s5, s7;
	[sflag:s6] =	ssyncadd.s32 @!p0 $0xFFFFFFFF  }
0xb9: {  	s25 =	simm.s32 $0x1B8E;
	s24 =	sld [smem:$0x3FFE];
	[sflag:s5] =	ssyncadd.remote.s32 @!p0 $0x1  }
0xba: {  	s26 =	simm.s32 $execute0_lowered;
	[smem:$0x3FD2] =	sst s25  }
0xbb: {  	s6 =	sshll.u32 s26, $0x1;
	_ =	strace $0x8000004C;
	[dreg:$0x1] =	wrdreg $0xFFFFFFFF  }
0xbc: {  	s28 =	simm.s32 $_size_execute0_lowered;
	s4 =	sadd.s32 s4, s6;
	[dreg:$0x0] =	wrdreg $0x0  }
0xbd: {  	s6 =	sshll.u32 s28, $0x1;
	[dreg:$0x2] =	wrdreg s4  }
0xbe: {  	[dreg:$0x3] =	wrdreg s6  }
0xbf: {  	[dreg:$0x4] =	wrdreg $0xC0  }
0xc0: {  	_ =	task [dreg:s22], $0x5FFFF  }
0xc1: {  	[dreg:$0x1] =	wrdreg $0xFFFFFFFF  }
0xc2: {  	[dreg:$0x0] =	wrdreg $0x60  }
0xc3: {  	[dreg:$0x2] =	wrdreg s24  }
0xc4: {  	[dreg:$0x3] =	wrdreg s17  }
0xc5: {  	[dreg:$0x4] =	wrdreg $0xA  }
0xc6: {  	_ =	task.clear_ibuf [dreg:s22], $0x5FFFF;
	_ =	strace $0x9000004C  }
0xc7: {  	s29 =	simm.s32 $0xA;
	_ =	strace $0x8000004E  }
0xc8: {  	_ =	swait.ge [sflag:s29], $0x1  }
0xc9: {  	[sflag:s29] =	ssyncadd.s32 $0xFFFFFFFF  }
0xca: {  	_ =	strace $0x9000004E  }
0xcb: {  	_ =	sfence  }
0xcc: {  	s30 =	sld [smem:$0x0];
	_ =	sdelay $0x2  }
0xcd: {  	s31 =	sshll.u32 s1, $0xD;
	s1 =	sshrl.u32 s1, $0x2  }
0xce: {  	s4 =	sand.u32 $0x4000, s31;
	s1 =	sadd.s32 s1, s30  }
0xcf: {  	s0 =	sor.u32 s4, s0;
	s1 =	sshll.u32 s1, $0x11  }
0xd0: {  	s0 =	sor.u32 s1, s0  }
0xd1: {  	s0 =	sadd.s32 $0x8F2B, s0  }
0xd2: {  	[sflag:s0] =	ssyncadd.remote.s32 $0x1  }
0xd3: {  	_ =	sfence.sel $0xFFFF  }
0xd4: {  	[dreg:$0x0] =	wrdreg $0xFFFFFFFF;
	(pc) =	sbr.abs _section_cstart, $3  }
0xd5: {  	[dreg:$0x1] =	wrdreg $0xFFFFFFFF  }
0xd6: {  	_ =	task.clear_ibuf [dreg:s22], $0x2FFFF;
	_ =	strace $0x9FFFFFFF  }
0xd7: {  	(tm) =	ssettm $0x7FFFFFFF  }
tec
execute0_lowered:
.L_overlay_start_1:
0x0: {  	(tag) =	ssettag $0x1  }
0x1: {  	s8 =	rddreg [dreg:$0x0]  }
0x2: {  	s2 =	rddreg [dreg:$0x1]  }
0x3: {  	s0 =	rddreg [dreg:$0x2];
	s1 =	stileid.u32  }
0x4: {  	s3 =	srdreg.scid;
	_ =	strace $0x8000004D;
	s4 =	simm.s32 $0x1  }
0x5: {  	s7 =	simm.s32 $0x1;
	s9 =	simm.s32 $0x1;
	s10 =	simm.s32 $0x3  }
0x6: {  	s13 =	simm.s32 $0x0;
	s5 =	sand.u32 $0x1, s3;
	s6 =	sshll.u32 s1, $0x1  }
0x7: {  	s12 =	simm.s32 $0x0;
	s3 =	sadd.s32 $0x1A00, s8;
	s5 =	sor.u32 s6, s5  }
.Ltmp0:
0x8: {  	[sflag:s4] =	ssyncpa.u1 $0x0;
	p0 =	slt.u32 s5, $0x13;
	(pc) =	sbr.rel .LBB2_1-.Ltmp0, $4  }
0x9: {  	s6 =	simm.s32 $0x2;
	s7 =	simm.s32 @!p0 $0x0;
	p0 =	sne.s32 s5, $0x12  }
0xa: {  	[sflag:s6] =	ssyncpa.u1 $0x0;
	s5 =	smul.u32 $0x190, s5;
	s9 =	simm.s32 @!p0 $0x0  }
0xb: {  	s8 =	sadd.s32 $0x600, s8;
	[sflag:s10] =	ssyncpa.u1 $0x0;
	s7 =	sadd.s32 s9, s7  }
0xc: {  	vm0 =	vmmov $0xffff;
	s10 =	simm.s32 $0x0;
	s11 =	smov.u32 s5;
	s9 =	sadd.s32 $0x1, s7  }
.LBB2_4:
0xd: {  	v2 =	vnsel vm1, $0x0, v2  }
0xe: {  	vm1 =	vgt.s32 v0, $0x0;
	v2 =	vmin.u32 v2, $0x4E1F  }
0xf: {  	v0 =	vnsel vm1, $0x0, v0  }
0x10: {  	v0 =	vmin.u32 v0, $0x4E1F  }
0x11: {  	[tilespmem:s18], [sflag:$0x1] =	stream.indirect_vreg.gather [hbm4b:s3+s10], $0x1, v1, vm0, $0x4038;
	[tilespmem:$0x640] =	vst v63  }
0x12: {  	(ifvalue) =	ssetifvalue $0x7FFFFFFF  }
0x13: {  	[tilespmem:s15], [sflag:$0x1] =	stream.indirect_vreg.gather [hbm4b:s3+s10], $0x1, v2, vm0, $0x4038;
	[tilespmem:$0x640] =	vst v63  }
0x14: {  	s29 =	sadd.s32 $0x10, s15;
	(ifvalue) =	ssetifvalue $0x7FFFFFFF  }
0x15: {  	[tilespmem:s29], [sflag:$0x1] =	stream.indirect_vreg.gather [hbm4b:s3+s10], $0x1, v0, vm0, $0x4038;
	[tilespmem:$0x640] =	vst v63  }
0x16: {  	_ =	swait.ge [sflag:s4], $0x190  }
0x17: {  	s30 =	sshrl.u32 s13, $0x3;
	[sflag:s4] =	ssyncset.done $0x0  }
0x18: {  	s31 =	sand.u32 $0x7, s13;
	s15 =	sadd.s32 s2, s30;
	[sflag:s4] =	ssyncadd.s32 $0xFFFFFE70  }
0x19: {  	[hbm4b:s15+s31] =	stream.linear.scatter [tilespmem:s14], [sflag:$0x3], $0x190, $0x38;
	[tilespmem:$0x640] =	vst v63  }
.LBB2_5:
0x1a: {  	s15 =	sadd.s32 $0x3200, s11  }
0x1b: {  	p1 =	sgt.s32 s15, $0x4E1F  }
0x1c: {  	s15 =	smov.u32 @p1 s5;
	p1 =	sne.s32 s12, s9  }
.Ltmp1:
0x1d: {  	p0 =	slt.u32 s12, $0x2;
	(pc) =	sbr.rel @!p1 .LBB2_6-.Ltmp1, $4  }
0x1e: {  	s14 =	simm.s32 @!p0 $0x3  }
0x1f: {  	_ =	swait.ge @!p0 [sflag:s14], $0x190  }
0x20: {  	s16 =	sadd.s32 $0x1, s12;
	s13 =	smov.u32 s11;
	[sflag:s14] =	ssyncset.done @!p0 $0x0  }
0x21: {  	s12 =	smov.u32 s16;
	s11 =	smov.u32 s15;
	[sflag:s14] =	ssyncadd.s32 @!p0 $0xFFFFFE70  }
.LBB2_1:
0x22: {  	p0 =	sge.u32 s12, s7  }
0x23: {  	s14 =	sxor.u32 @!p0 $0x1, s12  }
0x24: {  	s14 =	smul.u32 @!p0 $0x640, s14  }
0x25: {  	s31 =	sadd.s32 $0xFFFFFFFF, s12;
	s15 =	sshrl.u32 @!p0 s11, $0x3  }
0x26: {  	s16 =	sand.u32 @!p0 $0x7, s11;
	s15 =	sadd.s32 @!p0 s8, s15;
	s14 =	sshra.s32 @!p0 s14, $0x2  }
0x27: {  	[tilespmem:s14], [sflag:$0x2] =	stream.linear.gather @!p0 [hbm4b:s15+s16], $0x190, $0x38;
	[tilespmem:$0x640] =	vst v63  }
0x28: {  	p0 =	sge.u32 s31, s7  }
.Ltmp2:
0x29: {  	_ = 	snop;
	(pc) =	sbr.rel @p0 .LBB2_5-.Ltmp2, $1  }
0x2a: {  	_ =	sdelay $0x3  }
0x2b: {  	s14 =	sand.u32 $0x1, s12  }
0x2c: {  	_ =	swait.ge [sflag:s6], $0x190;
	p0 =	seq.s32 s14, $0x1;
	s14 =	simm.s32 $0x190  }
0x2d: {  	[sflag:s6] =	ssyncset.done $0x0;
	s14 =	simm.s32 @!p0 $0x0  }
0x2e: {  	[sflag:s6] =	ssyncadd.s32 $0xFFFFFE70;
	(ifvalue) =	ssetifvalue $0x7FFFFFFF;
	v0 =	vld.msk [tilespmem:s14+$0x0 ss:$0x1], $0xffff;
	_ =	sdelay $0x4  }
0x2f: {  	s15 =	sadd.s32 $0x10, s14;
	vm1 =	vgt.s32 v0, $0x0  }
0x30: {  	v2 =	vld.msk [tilespmem:s15+$0x0 ss:$0x1], $0xffff;
	v1 =	vnsel vm1, $0x0, v0  }
0x31: {  	v1 =	vmin.u32 v1, $0x4E1F;
	_ =	sdelay $0x2  }
0x32: {  	s17 =	simm.s32 $0x20;
	s14 =	sadd.s32 $0x320, s14;
	s16 =	sadd.s32 $0x10, s15  }
0x33: {  	s15 =	sadd.s32 $0x10, s14;
	s18 =	smov.u32 s14;
	v0 =	vld.msk [tilespmem:s16+$0x0 ss:$0x1], $0xffff;
	vm1 =	vgt.s32 v2, $0x0;
	(ifvalue) =	ssetifvalue $0x7FFFFFFF  }
.LBB2_3:
0x34: {  	[tilespmem:s18], [sflag:$0x1] =	stream.indirect_vreg.gather [hbm4b:s3+s10], $0x1, v1, vm0, $0x4038;
	[tilespmem:$0x640] =	vst v63  }
0x35: {  	s17 =	sadd.s32 $0x10, s17  }
0x36: {  	v2 =	vnsel vm1, $0x0, v2;
	p0 =	slt.u32 s17, $0x180  }
.Ltmp3:
0x37: {  	s18 =	smov.u32 s15;
	v1 =	vmin.u32 v2, $0x4E1F;
	(pc) =	sbr.rel @p0 .LBB2_3-.Ltmp3, $3  }
0x38: {  	_ =	sdelay $0x1  }
0x39: {  	s16 =	sadd.s32 $0x10, s16  }
0x3a: {  	vm1 =	vgt.s32 v0, $0x0;
	s15 =	sadd.s32 $0x10, s15;
	v2 =	vmov v0;
	(ifvalue) =	ssetifvalue $0x7FFFFFFF;
	v0 =	vld.msk [tilespmem:s16+$0x0 ss:$0x1], $0xffff  }
.Ltmp4:
0x3b: {  	_ = 	snop;
	(pc) =	sbr.rel .LBB2_4-.Ltmp4, $1  }
0x3c: {  	_ =	sdelay $0x3  }
.LBB2_6:
0x3d: {  	_ =	sfence.sel $0x180000  }
0x3e: {  	s2 =	simm.s32 $0x2;
	[bflag:$0x0] =	sbarrier.arrive $0xFFFF  }
0x3f: {  	s30 =	simm.s32 $0x3;
	[sflag:s2] =	ssyncpa.u1 $0x1  }
0x40: {  	s31 =	simm.s32 $0x1;
	[sflag:s30] =	ssyncpa.u1 $0x1  }
0x41: {  	[sflag:s31] =	ssyncpa.u1 $0x1  }
0x42: {  	p0 =	sne.s32 s1, $0x0;
	_ =	strace $0x9000004D  }
0x43: {  	s0 =	sadd.s32 @!p0 $0x100000, s0;
	[bflag:$0x2] =	sbarrier.arrive $0xFFFF  }
0x44: {  	[sflag:s0] =	ssyncadd.tile.s32 @!p0 $0x1;
	_ =	shalt  }
.Lfunc_end2:
_tile_overlayer_lowered:
.L_overlay_start_2:
0x45: {  	(tag) =	ssettag $0x2  }
0x46: {  	s0 =	rddreg [dreg:$0x0];
	s2 =	stileid.u32  }
0x47: {  	s1 =	rddreg [dreg:$0x1];
	p0 =	sne.s32 s2, $0x0  }
0x48: {  	s3 =	rddreg [dreg:$0x2];
	[bflag:$0x3] =	sbarrier.arrive $0xFFFF;
	s2 =	simm.s32 @!p0 $0x1C01  }
0x49: {  	[timem:s3], [sflag:s2] =	dma.local @!p0 [hbm:s0], s1  }
0x4a: {  	s0 =	simm.s32 @!p0 $0x1  }
0x4b: {  	_ =	swait.ge @!p0 [sflag:s0], s1  }
0x4c: {  	s1 =	ssub.s32 @!p0 $0x0, s1;
	[sflag:s0] =	ssyncset.done @!p0 $0x0  }
0x4d: {  	[sflag:s0] =	ssyncadd.s32 @!p0 s1  }
0x4e: {  	[bflag:$0x3] =	sbarrier.arrive $0xFFFF  }
0x4f: {  	_ =	shalt  }

// kernel: gather_offload_async_start
scs
__scs_entry_jumppad:
0x0: {  	(pc) =	sbr.rel $0x88, $3  }
0x1: {  	(tag) =	ssettag $0x0;
	lr =	simm.s32 $0x1  }
0x2: {  	[smem:$0x3F9E] =	sst lr;
	_ =	strace $0xD0000000  }
0x3: {  	_ = 	snop  }
0x4: {  	_ = 	snop  }
0x5: {  	_ = 	snop  }
0x6: {  	_ = 	snop  }
0x7: {  	_ = 	snop  }
__scs_overlays_trampoline_lowered:
0x8: {  	[smem:$0x3FAD] =	sst s0  }
0x9: {  	[smem:$0x3FAE] =	sst s1  }
0xa: {  	[smem:$0x3FAF] =	sst s2  }
0xb: {  	[smem:$0x3FB0] =	sst s3  }
0xc: {  	[smem:$0x3FB1] =	sst s4  }
0xd: {  	[smem:$0x3FB2] =	sst s5  }
0xe: {  	[smem:$0x3FB3] =	sst s6  }
0xf: {  	[smem:$0x3FB4] =	sst s7  }
0x10: {  	[smem:$0x3FB5] =	sst s8  }
0x11: {  	[smem:$0x3FB6] =	sst s9;
	s0 =	simm.s32 @!p0 $0x0  }
0x12: {  	s1 =	sld [smem:$0x3F9C];
	s0 =	simm.s32 @p0 $0x1  }
0x13: {  	[smem:$0x3FB7] =	sst s0;
	s0 =	simm.s32 @!p1 $0x0  }
0x14: {  	s2 =	sld [smem:$0x3F9B];
	s0 =	simm.s32 @p1 $0x1  }
0x15: {  	[smem:$0x3FB8] =	sst s0;
	s0 =	simm.s32 @!p2 $0x0  }
0x16: {  	s3 =	sld [smem:$0x3FDB];
	s0 =	simm.s32 @p2 $0x1  }
0x17: {  	s4 =	simm.s32 $0x1BF5;
	[smem:$0x3FBA] =	sst s0  }
0x18: {  	s0 =	sld [smem:$0x3F9D];
	_ =	swait.ge [sflag:s4], $0x0  }
0x19: {  	s7 =	sld [smem:$0x3F9E]  }
0x1a: {  	s8 =	sadd.s32 $0xFFFFE003, lr  }
0x1b: {  	s9 =	sadd.s32 $0xFFFFFEF7, lr;
	s5 =	simm.s32 $0xFFFFFFFF;
	p2 =	slt.u32 s8, $0xFFFFF086  }
0x1c: {  	p1 =	slt.u32 s9, $0xF7A;
	s5 =	simm.s32 @!p2 $0x0  }
0x1d: {  	s5 =	simm.s32 @p1 $0x1;
	p0 =	seq.s32 s7, s2  }
0x1e: {  	s7 =	smul.u32 @!p0 $0xF7A, s2;
	p2 =	seq.s32 @!p0 s5, $0x0  }
0x1f: {  	s9 =	smul.u32 $0xF7A, s1;
	s8 =	simm.s32 @!p0 $0x1BF5;
	p2 =	por !p2, p0  }
0x20: {  	[sflag:s8] =	ssyncset.s32 @!p0 $0xFFFFF086;
	s6 =	sadd.s32 @!p0 s3, s7;
	s7 =	simm.s32 @!p0 $0x108  }
0x21: {  	s3 =	sadd.s32 s3, s9;
	s6 =	sadd.s32 @!p0 $0x88, s6;
	s7 =	simm.s32 @p2 $0x1082  }
0x22: {  	[simem:s7], [sflag:s8] =	dma.local @!p0 [hbm:s6], $0xF7A  }
0x23: {  	s9 =	sor.u32 $0xD0000000, s2;
	s6 =	simm.s32 $0x108;
	_ =	swait.ge @!p0 [sflag:s8], $0x0  }
0x24: {  	s3 =	sadd.s32 $0x88, s3;
	s6 =	simm.s32 @!p1 $0x1082;
	[sflag:s4] =	ssyncset.s32 $0xFFFFF086  }
0x25: {  	[simem:s6], [sflag:s4] =	dma.local [hbm:s3], $0xF7A  }
0x26: {  	[smem:$0x3F9E] =	sst s1;
	(tag) =	ssettag s2;
	_ =	strace s9  }
0x27: {  	s1 =	sld [smem:$0x3FAE]  }
0x28: {  	s2 =	sld [smem:$0x3FAF]  }
0x29: {  	s4 =	sld [smem:$0x3FB1]  }
0x2a: {  	p0 =	seq.s32 s5, $0x0;
	s5 =	sld [smem:$0x3FB2]  }
0x2b: {  	s6 =	sld [smem:$0x3FB3]  }
0x2c: {  	s7 =	sld [smem:$0x3FB4]  }
0x2d: {  	s3 =	simm.s32 $0x108;
	s8 =	sld [smem:$0x3FB5]  }
0x2e: {  	s3 =	simm.s32 @!p0 $0x1082;
	s9 =	sld [smem:$0x3FB6]  }
0x2f: {  	lr =	sadd.s32 s0, s3;
	s0 =	sld [smem:$0x3FAD]  }
0x30: {  	s3 =	sld [smem:$0x3FB0]  }
0x31: {  	[smem:$0x3FB9] =	sst s10  }
0x32: {  	s10 =	sld [smem:$0x3FB7];
	_ =	sdelay $0x3  }
0x33: {  	p0 =	seq.s32 s10, $0x1;
	s10 =	sld [smem:$0x3FB9];
	_ =	sdelay $0x3  }
0x34: {  	[smem:$0x3FB9] =	sst s10  }
0x35: {  	s10 =	sld [smem:$0x3FB8];
	_ =	sdelay $0x3  }
0x36: {  	p1 =	seq.s32 s10, $0x1;
	s10 =	sld [smem:$0x3FB9];
	_ =	sdelay $0x3  }
0x37: {  	[smem:$0x3FB9] =	sst s10  }
0x38: {  	s10 =	sld [smem:$0x3FBA]  }
0x39: {  	_ = 	snop;
	(pc) =	sbr.ind lr, $3  }
0x3a: {  	_ = 	snop  }
0x3b: {  	_ = 	snop  }
0x3c: {  	p2 =	seq.s32 s10, $0x1;
	s10 =	sld [smem:$0x3FB9]  }
0x3d: {  	_ =	shalt  }
0x3e: {  	_ =	shalt  }
0x3f: {  	_ =	shalt  }
0x40: {  	_ =	shalt  }
0x41: {  	_ =	shalt  }
0x42: {  	_ =	shalt  }
0x43: {  	_ =	shalt  }
0x44: {  	_ =	shalt  }
0x45: {  	_ =	shalt  }
0x46: {  	_ =	shalt  }
0x47: {  	_ =	shalt  }
0x48: {  	_ =	shalt  }
0x49: {  	_ =	shalt  }
0x4a: {  	_ =	shalt  }
0x4b: {  	_ =	shalt  }
0x4c: {  	_ =	shalt  }
0x4d: {  	_ =	shalt  }
0x4e: {  	_ =	shalt  }
0x4f: {  	_ =	shalt  }
0x50: {  	_ =	shalt  }
0x51: {  	_ =	shalt  }
0x52: {  	_ =	shalt  }
0x53: {  	_ =	shalt  }
0x54: {  	_ =	shalt  }
0x55: {  	_ =	shalt  }
0x56: {  	_ =	shalt  }
0x57: {  	_ =	shalt  }
0x58: {  	_ =	shalt  }
0x59: {  	_ =	shalt  }
0x5a: {  	_ =	shalt  }
0x5b: {  	_ =	shalt  }
0x5c: {  	_ =	shalt  }
0x5d: {  	_ =	shalt  }
0x5e: {  	_ =	shalt  }
0x5f: {  	_ =	shalt  }
0x60: {  	_ =	shalt  }
0x61: {  	_ =	shalt  }
0x62: {  	_ =	shalt  }
0x63: {  	_ =	shalt  }
0x64: {  	_ =	shalt  }
0x65: {  	_ =	shalt  }
0x66: {  	_ =	shalt  }
0x67: {  	_ =	shalt  }
0x68: {  	_ =	shalt  }
0x69: {  	_ =	shalt  }
0x6a: {  	_ =	shalt  }
0x6b: {  	_ =	shalt  }
0x6c: {  	_ =	shalt  }
0x6d: {  	_ =	shalt  }
0x6e: {  	_ =	shalt  }
0x6f: {  	_ =	shalt  }
0x70: {  	_ =	shalt  }
0x71: {  	_ =	shalt  }
0x72: {  	_ =	shalt  }
0x73: {  	_ =	shalt  }
0x74: {  	_ =	shalt  }
0x75: {  	_ =	shalt  }
0x76: {  	_ =	shalt  }
0x77: {  	_ =	shalt  }
0x78: {  	_ =	shalt  }
0x79: {  	_ =	shalt  }
0x7a: {  	_ =	shalt  }
0x7b: {  	_ =	shalt  }
0x7c: {  	_ =	shalt  }
0x7d: {  	_ =	shalt  }
0x7e: {  	_ =	shalt  }
0x7f: {  	_ =	shalt  }
0x80: {  	_ =	shalt  }
0x81: {  	_ =	shalt  }
0x82: {  	_ =	shalt  }
0x83: {  	_ =	shalt  }
0x84: {  	_ =	shalt  }
0x85: {  	_ =	shalt  }
0x86: {  	_ =	shalt  }
0x87: {  	_ =	shalt  }
.Lfunc_end0:
.L_simem_size_0:
called_computation_lowered:
.L_overlay_start_0:
0x88: {  	s2 =	sld [smem:$0x3FD9]  }
0x89: {  	s3 =	sld [smem:$0x3FFE];
	_ =	sdelay $0x1  }
0x8a: {  	s1 =	srdreg.scid  }
0x8b: {  	s0 =	sand.u32 $0x1, s1  }
0x8c: {  	s14 =	sshll.u32 s0, $0xA;
	s2 =	sadd.s32 s3, s2  }
0x8d: {  	s2 =	sadd.s32 s2, s14  }
0x8e: {  	[smem:$0x3FC5] =	sst s2  }
0x8f: {  	_ = 	snop  }
0x90: {  	s2 =	sld [smem:$0x3FD0];
	_ =	sdelay $0x2  }
0x91: {  	s15 =	simm.s32 $0xB;
	s4 =	simm.s32 $0x10  }
0x92: {  	[smem:s4], [sflag:s15] =	dma.local [hbm:s2], $0x1  }
0x93: {  	_ =	swait.eq [sflag:s15], $0x1  }
0x94: {  	[sflag:s15] =	ssyncset.done $0x0  }
0x95: {  	[sflag:s15] =	ssyncadd.s32 $0xFFFFFFFF  }
0x96: {  	s16 =	sld [smem:$0x12];
	(tm) =	ssettm $0x1  }
0x97: {  	s17 =	sld [smem:$0x3FFB];
	_ =	sdelay $0x3  }
0x98: {  	_ =	strace s17  }
0x99: {  	s3 =	sld [smem:$0x3FFC];
	_ =	sdelay $0x3  }
0x9a: {  	_ =	strace s3  }
0x9b: {  	s3 =	sld [smem:$0x3FFD];
	_ =	sdelay $0x3  }
0x9c: {  	_ =	strace s3  }
0x9d: {  	_ =	strace $0x8FFFFFFF  }
0x9e: {  	s18 =	sld [smem:$0x3FDB];
	_ =	sdelay $0x1  }
0x9f: {  	s19 =	simm.s32 $_scs_section_size  }
0xa0: {  	s5 =	simm.s32 $_size__tile_overlayer_lowered;
	s6 =	simm.s32 $_tile_overlayer_lowered  }
0xa1: {  	s22 =	simm.s32 $0x1BFF;
	s21 =	sshll.u32 s6, $0x1;
	s3 =	sadd.s32 s19, s18  }
0xa2: {  	s7 =	simm.s32 $0x0;
	s20 =	sshll.u32 s5, $0x1;
	s5 =	sadd.s32 s21, s3  }
0xa3: {  	[timem:s7], [sflag:s22] =	dma.local [hbm:s5], s20  }
0xa4: {  	_ =	swait.ge [sflag:s22], s20  }
0xa5: {  	s4 =	ssub.s32 $0x0, s20;
	[sflag:s22] =	ssyncset.done $0x0  }
0xa6: {  	[sflag:s22] =	ssyncadd.s32 s4;
	_ =	sdelay $0x1  }
0xa7: {  	s23 =	simm.s32 $0x1B8B  }
0xa8: {  	_ =	swait.ge [sflag:s23], $0x1  }
0xa9: {  	[sflag:s23] =	ssyncset.done $0x0  }
0xaa: {  	s25 =	simm.s32 $0x1B8E;
	s24 =	sld [smem:$0x3FFE];
	[sflag:s23] =	ssyncadd.s32 $0xFFFFFFFF  }
0xab: {  	s26 =	simm.s32 $execute0_lowered;
	[smem:$0x3FD2] =	sst s25  }
0xac: {  	s5 =	sshll.u32 s26, $0x1;
	_ =	strace $0x80000049;
	[dreg:$0x1] =	wrdreg $0xFFFFFFFF  }
0xad: {  	s28 =	simm.s32 $_size_execute0_lowered;
	s3 =	sadd.s32 s3, s5;
	[dreg:$0x0] =	wrdreg $0x0  }
0xae: {  	s5 =	sshll.u32 s28, $0x1;
	[dreg:$0x2] =	wrdreg s3  }
0xaf: {  	[dreg:$0x3] =	wrdreg s5  }
0xb0: {  	[dreg:$0x4] =	wrdreg $0xC0  }
0xb1: {  	_ =	task [dreg:s7], $0x5FFFF  }
0xb2: {  	[dreg:$0x1] =	wrdreg $0xFFFFFFFF  }
0xb3: {  	[dreg:$0x0] =	wrdreg $0x60  }
0xb4: {  	[dreg:$0x2] =	wrdreg s16  }
0xb5: {  	[dreg:$0x3] =	wrdreg s24  }
0xb6: {  	[dreg:$0x4] =	wrdreg $0x9  }
0xb7: {  	_ =	task.clear_ibuf [dreg:s7], $0x5FFFF;
	_ =	strace $0x90000049  }
0xb8: {  	s29 =	simm.s32 $0x9;
	_ =	strace $0x8000004B  }
0xb9: {  	_ =	swait.ge [sflag:s29], $0x1  }
0xba: {  	[sflag:s29] =	ssyncadd.s32 $0xFFFFFFFF  }
0xbb: {  	_ =	strace $0x9000004B  }
0xbc: {  	_ =	sfence  }
0xbd: {  	s30 =	sld [smem:$0x0];
	_ =	sdelay $0x2  }
0xbe: {  	s31 =	sshll.u32 s1, $0xD;
	s1 =	sshrl.u32 s1, $0x2  }
0xbf: {  	s3 =	sand.u32 $0x4000, s31;
	s1 =	sadd.s32 s1, s30  }
0xc0: {  	s0 =	sor.u32 s3, s0;
	s1 =	sshll.u32 s1, $0x11  }
0xc1: {  	s0 =	sor.u32 s1, s0  }
0xc2: {  	s0 =	sadd.s32 $0x8F2B, s0  }
0xc3: {  	[sflag:s0] =	ssyncadd.remote.s32 $0x1  }
0xc4: {  	_ =	sfence.sel $0xFFFF  }
0xc5: {  	[dreg:$0x0] =	wrdreg $0xFFFFFFFF;
	(pc) =	sbr.abs _section_cstart, $3  }
0xc6: {  	[dreg:$0x1] =	wrdreg $0xFFFFFFFF  }
0xc7: {  	_ =	task.clear_ibuf [dreg:s7], $0x2FFFF;
	_ =	strace $0x9FFFFFFF  }
0xc8: {  	(tm) =	ssettm $0x7FFFFFFF  }
0xc9: {  	_ =	shalt  }
tec
execute0_lowered:
.L_overlay_start_1:
0x0: {  	(tag) =	ssettag $0x1  }
0x1: {  	s2 =	rddreg [dreg:$0x0]  }
0x2: {  	s8 =	rddreg [dreg:$0x1]  }
0x3: {  	s0 =	rddreg [dreg:$0x2];
	s1 =	stileid.u32  }
0x4: {  	s3 =	srdreg.scid;
	_ =	strace $0x8000004A;
	s4 =	simm.s32 $0x1  }
0x5: {  	s7 =	simm.s32 $0x1;
	s9 =	simm.s32 $0x1;
	s10 =	simm.s32 $0x3  }
0x6: {  	s13 =	simm.s32 $0x0;
	s5 =	sand.u32 $0x1, s3;
	s6 =	sshll.u32 s1, $0x1  }
0x7: {  	s12 =	simm.s32 $0x0;
	s3 =	sadd.s32 $0x600, s8;
	s5 =	sor.u32 s6, s5  }
.Ltmp0:
0x8: {  	[sflag:s4] =	ssyncpa.u1 $0x0;
	p0 =	slt.u32 s5, $0x13;
	(pc) =	sbr.rel .LBB2_1-.Ltmp0, $4  }
0x9: {  	s6 =	simm.s32 $0x2;
	s7 =	simm.s32 @!p0 $0x0;
	p0 =	sne.s32 s5, $0x12  }
0xa: {  	[sflag:s6] =	ssyncpa.u1 $0x0;
	s5 =	smul.u32 $0x190, s5;
	s9 =	simm.s32 @!p0 $0x0  }
0xb: {  	s8 =	sadd.s32 $0x1000, s8;
	[sflag:s10] =	ssyncpa.u1 $0x0;
	s7 =	sadd.s32 s9, s7  }
0xc: {  	vm0 =	vmmov $0xffff;
	s10 =	simm.s32 $0x0;
	s11 =	smov.u32 s5;
	s9 =	sadd.s32 $0x1, s7  }
.LBB2_4:
0xd: {  	v2 =	vnsel vm1, $0x0, v2  }
0xe: {  	vm1 =	vgt.s32 v0, $0x0;
	v2 =	vmin.u32 v2, $0x4E1F  }
0xf: {  	v0 =	vnsel vm1, $0x0, v0  }
0x10: {  	v0 =	vmin.u32 v0, $0x4E1F  }
0x11: {  	[tilespmem:s18], [sflag:$0x1] =	stream.indirect_vreg.gather [hbm4b:s2+s10], $0x1, v1, vm0, $0x4038;
	[tilespmem:$0x640] =	vst v63  }
0x12: {  	(ifvalue) =	ssetifvalue $0x7FFFFFFF  }
0x13: {  	[tilespmem:s15], [sflag:$0x1] =	stream.indirect_vreg.gather [hbm4b:s2+s10], $0x1, v2, vm0, $0x4038;
	[tilespmem:$0x640] =	vst v63  }
0x14: {  	s29 =	sadd.s32 $0x10, s15;
	(ifvalue) =	ssetifvalue $0x7FFFFFFF  }
0x15: {  	[tilespmem:s29], [sflag:$0x1] =	stream.indirect_vreg.gather [hbm4b:s2+s10], $0x1, v0, vm0, $0x4038;
	[tilespmem:$0x640] =	vst v63  }
0x16: {  	_ =	swait.ge [sflag:s4], $0x190  }
0x17: {  	s30 =	sshrl.u32 s13, $0x3;
	[sflag:s4] =	ssyncset.done $0x0  }
0x18: {  	s31 =	sand.u32 $0x7, s13;
	s15 =	sadd.s32 s8, s30;
	[sflag:s4] =	ssyncadd.s32 $0xFFFFFE70  }
0x19: {  	[hbm4b:s15+s31] =	stream.linear.scatter [tilespmem:s14], [sflag:$0x3], $0x190, $0x38;
	[tilespmem:$0x640] =	vst v63  }
.LBB2_5:
0x1a: {  	s15 =	sadd.s32 $0x3200, s11  }
0x1b: {  	p1 =	sgt.s32 s15, $0x4E1F  }
0x1c: {  	s15 =	smov.u32 @p1 s5;
	p1 =	sne.s32 s12, s9  }
.Ltmp1:
0x1d: {  	p0 =	slt.u32 s12, $0x2;
	(pc) =	sbr.rel @!p1 .LBB2_6-.Ltmp1, $4  }
0x1e: {  	s14 =	simm.s32 @!p0 $0x3  }
0x1f: {  	_ =	swait.ge @!p0 [sflag:s14], $0x190  }
0x20: {  	s16 =	sadd.s32 $0x1, s12;
	s13 =	smov.u32 s11;
	[sflag:s14] =	ssyncset.done @!p0 $0x0  }
0x21: {  	s12 =	smov.u32 s16;
	s11 =	smov.u32 s15;
	[sflag:s14] =	ssyncadd.s32 @!p0 $0xFFFFFE70  }
.LBB2_1:
0x22: {  	p0 =	sge.u32 s12, s7  }
0x23: {  	s14 =	sxor.u32 @!p0 $0x1, s12  }
0x24: {  	s14 =	smul.u32 @!p0 $0x640, s14  }
0x25: {  	s31 =	sadd.s32 $0xFFFFFFFF, s12;
	s15 =	sshrl.u32 @!p0 s11, $0x3  }
0x26: {  	s16 =	sand.u32 @!p0 $0x7, s11;
	s15 =	sadd.s32 @!p0 s3, s15;
	s14 =	sshra.s32 @!p0 s14, $0x2  }
0x27: {  	[tilespmem:s14], [sflag:$0x2] =	stream.linear.gather @!p0 [hbm4b:s15+s16], $0x190, $0x38;
	[tilespmem:$0x640] =	vst v63  }
0x28: {  	p0 =	sge.u32 s31, s7  }
.Ltmp2:
0x29: {  	_ = 	snop;
	(pc) =	sbr.rel @p0 .LBB2_5-.Ltmp2, $1  }
0x2a: {  	_ =	sdelay $0x3  }
0x2b: {  	s14 =	sand.u32 $0x1, s12  }
0x2c: {  	_ =	swait.ge [sflag:s6], $0x190;
	p0 =	seq.s32 s14, $0x1;
	s14 =	simm.s32 $0x190  }
0x2d: {  	[sflag:s6] =	ssyncset.done $0x0;
	s14 =	simm.s32 @!p0 $0x0  }
0x2e: {  	[sflag:s6] =	ssyncadd.s32 $0xFFFFFE70;
	(ifvalue) =	ssetifvalue $0x7FFFFFFF;
	v0 =	vld.msk [tilespmem:s14+$0x0 ss:$0x1], $0xffff;
	_ =	sdelay $0x4  }
0x2f: {  	s15 =	sadd.s32 $0x10, s14;
	vm1 =	vgt.s32 v0, $0x0  }
0x30: {  	v2 =	vld.msk [tilespmem:s15+$0x0 ss:$0x1], $0xffff;
	v1 =	vnsel vm1, $0x0, v0  }
0x31: {  	v1 =	vmin.u32 v1, $0x4E1F;
	_ =	sdelay $0x2  }
0x32: {  	s17 =	simm.s32 $0x20;
	s14 =	sadd.s32 $0x320, s14;
	s16 =	sadd.s32 $0x10, s15  }
0x33: {  	s15 =	sadd.s32 $0x10, s14;
	s18 =	smov.u32 s14;
	v0 =	vld.msk [tilespmem:s16+$0x0 ss:$0x1], $0xffff;
	vm1 =	vgt.s32 v2, $0x0;
	(ifvalue) =	ssetifvalue $0x7FFFFFFF  }
.LBB2_3:
0x34: {  	[tilespmem:s18], [sflag:$0x1] =	stream.indirect_vreg.gather [hbm4b:s2+s10], $0x1, v1, vm0, $0x4038;
	[tilespmem:$0x640] =	vst v63  }
0x35: {  	s17 =	sadd.s32 $0x10, s17  }
0x36: {  	v2 =	vnsel vm1, $0x0, v2;
	p0 =	slt.u32 s17, $0x180  }
.Ltmp3:
0x37: {  	s18 =	smov.u32 s15;
	v1 =	vmin.u32 v2, $0x4E1F;
	(pc) =	sbr.rel @p0 .LBB2_3-.Ltmp3, $3  }
0x38: {  	_ =	sdelay $0x1  }
0x39: {  	s16 =	sadd.s32 $0x10, s16  }
0x3a: {  	vm1 =	vgt.s32 v0, $0x0;
	s15 =	sadd.s32 $0x10, s15;
	v2 =	vmov v0;
	(ifvalue) =	ssetifvalue $0x7FFFFFFF;
	v0 =	vld.msk [tilespmem:s16+$0x0 ss:$0x1], $0xffff  }
.Ltmp4:
0x3b: {  	_ = 	snop;
	(pc) =	sbr.rel .LBB2_4-.Ltmp4, $1  }
0x3c: {  	_ =	sdelay $0x3  }
.LBB2_6:
0x3d: {  	_ =	sfence.sel $0x180000  }
0x3e: {  	s2 =	simm.s32 $0x2;
	[bflag:$0x0] =	sbarrier.arrive $0xFFFF  }
0x3f: {  	s30 =	simm.s32 $0x3;
	[sflag:s2] =	ssyncpa.u1 $0x1  }
0x40: {  	s31 =	simm.s32 $0x1;
	[sflag:s30] =	ssyncpa.u1 $0x1  }
0x41: {  	[sflag:s31] =	ssyncpa.u1 $0x1  }
0x42: {  	p0 =	sne.s32 s1, $0x0;
	_ =	strace $0x9000004A  }
0x43: {  	s0 =	sadd.s32 @!p0 $0x100000, s0;
	[bflag:$0x2] =	sbarrier.arrive $0xFFFF  }
0x44: {  	[sflag:s0] =	ssyncadd.tile.s32 @!p0 $0x1;
	_ =	shalt  }
.Lfunc_end2:
_tile_overlayer_lowered:
.L_overlay_start_2:
0x45: {  	(tag) =	ssettag $0x2  }
0x46: {  	s0 =	rddreg [dreg:$0x0];
	s2 =	stileid.u32  }
0x47: {  	s1 =	rddreg [dreg:$0x1];
	p0 =	sne.s32 s2, $0x0  }
0x48: {  	s3 =	rddreg [dreg:$0x2];
	[bflag:$0x3] =	sbarrier.arrive $0xFFFF;
	s2 =	simm.s32 @!p0 $0x1C01  }
0x49: {  	[timem:s3], [sflag:s2] =	dma.local @!p0 [hbm:s0], s1  }
0x4a: {  	s0 =	simm.s32 @!p0 $0x1  }
0x4b: {  	_ =	swait.ge @!p0 [sflag:s0], s1  }
0x4c: {  	s1 =	ssub.s32 @!p0 $0x0, s1;
	[sflag:s0] =	ssyncset.done @!p0 $0x0  }
0x4d: {  	[sflag:s0] =	ssyncadd.s32 @!p0 s1  }
0x4e: {  	[bflag:$0x3] =	sbarrier.arrive $0xFFFF  }
0x4f: {  	_ =	shalt  }

</sc_bundles>
